<compile_context>
chip_gen: v7x
topology: tpu7x:2x2x1
jax: 0.10.2.dev20260603
libtpu: 0.0.44.dev20260713+nightly
codegen_flags: <defaults>
</compile_context>

<pallas_src>
import functools

import jax
import jax.numpy as jnp
from jax import lax
from jax.experimental import pallas as pl
from jax.experimental.pallas import tpu as pltpu
from jax.experimental.pallas import tpu_sc as plsc

E = 320000
DIM = 128
TBL = 3000
NUM_CORES = 2
NUM_SUBCORES = 16
NW = NUM_CORES * NUM_SUBCORES
B_PER_W = E // NW
CHUNK = 400
NCH = B_PER_W // CHUNK
LANES = 16


def _body(src_hbm, dst_hbm, table_hbm, out_hbm,
          src0, src1, dst0, dst1, idx0, idx1, rows0, rows1, table_sp,
          isem0, isem1, gsem0, gsem1, osem0, osem1):
    src_b = (src0, src1)
    dst_b = (dst0, dst1)
    idx_b = (idx0, idx1)
    rows_b = (rows0, rows1)
    isem = (isem0, isem1)
    gsem = (gsem0, gsem1)
    osem = (osem0, osem1)

    wid = lax.axis_index("s") * NUM_CORES + lax.axis_index("c")
    base = wid * B_PER_W

    def fire_in(i, b):
        row0 = base + i * CHUNK
        pltpu.async_copy(src_hbm.at[pl.ds(row0, CHUNK)], src_b[b], isem[b])
        pltpu.async_copy(dst_hbm.at[pl.ds(row0, CHUNK)], dst_b[b], isem[b])

    def wait_in(i, b):
        row0 = base + i * CHUNK
        pltpu.make_async_copy(src_hbm.at[pl.ds(row0, CHUNK)], src_b[b], isem[b]).wait()
        pltpu.make_async_copy(dst_hbm.at[pl.ds(row0, CHUNK)], dst_b[b], isem[b]).wait()

    def compute(b):
        def f(j, c):
            x = src_b[b][pl.ds(j * LANES, LANES)]
            y = dst_b[b][pl.ds(j * LANES, LANES)]
            d = jnp.abs(x - y) - 1
            idx_b[b][pl.ds(j * LANES, LANES)] = x * y + ((d * d) >> 2)
            return c

        lax.fori_loop(0, CHUNK // LANES, f, 0)

    def fire_gather(b):
        return pltpu.async_copy(table_sp.at[idx_b[b]], rows_b[b], gsem[b])

    def fire_write(i, b):
        pltpu.async_copy(
            rows_b[b], out_hbm.at[pl.ds(base + i * CHUNK, CHUNK)], osem[b]
        )

    def wait_write(i, b):
        pltpu.make_async_copy(
            rows_b[b], out_hbm.at[pl.ds(base + i * CHUNK, CHUNK)], osem[b]
        ).wait()

    fire_in(0, 0)
    fire_in(1, 1)

    @pl.when(lax.axis_index("s") == 0)
    def _():
        pltpu.sync_copy(table_hbm, table_sp)

    plsc.subcore_barrier()

    wait_in(0, 0)
    compute(0)
    fire_in(2, 0)
    g = fire_gather(0)
    wait_in(1, 1)
    compute(1)
    fire_in(3, 1)
    g.wait()
    fire_write(0, 0)

    g = fire_gather(1)
    wait_in(2, 0)
    compute(0)
    fire_in(4, 0)
    g.wait()
    fire_write(1, 1)

    def pair(it, c):
        a = 2 + 2 * it
        wait_write(a - 2, 0)
        g0 = fire_gather(0)
        wait_in(a + 1, 1)
        compute(1)
        fire_in(a + 3, 1)
        g0.wait()
        fire_write(a, 0)

        wait_write(a - 1, 1)
        g1 = fire_gather(1)
        wait_in(a + 2, 0)
        compute(0)
        fire_in(a + 4, 0)
        g1.wait()
        fire_write(a + 1, 1)
        return c

    lax.fori_loop(0, (NCH - 5) // 2, pair, 0)

    wait_write(NCH - 5, 0)
    g = fire_gather(0)
    wait_in(NCH - 2, 1)
    compute(1)
    g.wait()
    fire_write(NCH - 3, 0)

    wait_write(NCH - 4, 1)
    g = fire_gather(1)
    wait_in(NCH - 1, 0)
    compute(0)
    g.wait()
    fire_write(NCH - 2, 1)

    wait_write(NCH - 3, 0)
    g = fire_gather(0)
    g.wait()
    fire_write(NCH - 1, 0)

    wait_write(NCH - 2, 1)
    wait_write(NCH - 1, 0)


@jax.jit
def _run(src, dst, table):
    mesh = plsc.VectorSubcoreMesh(core_axis_name="c", subcore_axis_name="s")
    f = functools.partial(
        pl.kernel,
        mesh=mesh,
        out_type=jax.ShapeDtypeStruct((E, DIM), jnp.float32),
        scratch_types=[
            pltpu.VMEM((CHUNK,), jnp.int32),
            pltpu.VMEM((CHUNK,), jnp.int32),
            pltpu.VMEM((CHUNK,), jnp.int32),
            pltpu.VMEM((CHUNK,), jnp.int32),
            pltpu.VMEM((CHUNK,), jnp.int32),
            pltpu.VMEM((CHUNK,), jnp.int32),
            pltpu.VMEM((CHUNK, DIM), jnp.float32),
            pltpu.VMEM((CHUNK, DIM), jnp.float32),
            pltpu.VMEM_SHARED((TBL, DIM), jnp.float32),
            pltpu.SemaphoreType.DMA,
            pltpu.SemaphoreType.DMA,
            pltpu.SemaphoreType.DMA,
            pltpu.SemaphoreType.DMA,
            pltpu.SemaphoreType.DMA,
            pltpu.SemaphoreType.DMA,
        ],
    )(_body)
    return f(src, dst, table)


def kernel(src_node_type, dst_node_type, embedding):
    src = src_node_type.astype(jnp.int32)
    dst = dst_node_type.astype(jnp.int32)
    table = embedding.astype(jnp.float32)
    return _run(src, dst, table)

# --- scband reference (transcript-rebuilt; emitter-appended) ---
"""Pipeline reference for scband-edge-embedding-16449724744293 (READ-ONLY COPY).

The authoritative reference and input builder live on the scoring server;
editing this copy changes nothing except your own understanding.
"""

import jax, jax.numpy as jnp
import numpy as np

E = 320000
EDGE_NUM = 3000
DIM = 128
MAX_ATOM = 50


def setup_inputs(seed: int = 0) -> dict:
    key = jax.random.key(seed)
    k1, k2, k3 = jax.random.split(key, 3)
    src_node_type = jax.random.randint(k1, (E,), 0, MAX_ATOM, dtype=jnp.int64 if jax.config.jax_enable_x64 else jnp.int32)
    dst_node_type = jax.random.randint(k2, (E,), 0, MAX_ATOM, dtype=jnp.int64 if jax.config.jax_enable_x64 else jnp.int32)
    # nn.Embedding(edge_num, dim, padding_idx=0): normal(0,1) init, row 0 zeroed
    embedding = jax.random.normal(k3, (EDGE_NUM, DIM), dtype=jnp.float32)
    embedding = embedding.at[0].set(0.0)
    return {"src_node_type": src_node_type, "dst_node_type": dst_node_type, "embedding": embedding}


def reference(src_node_type, dst_node_type, embedding):
    # Unordered pairing function: type = x*y + ((|x-y|-1)^2)/4
    x = src_node_type
    y = dst_node_type
    edge_type = x * y + ((jnp.abs(x - y) - 1) ** 2) // 4
    edge_type = edge_type.astype(jnp.int32)
    # embedding lookup (gather)
    edge_f = jnp.take(embedding, edge_type, axis=0)
    return edge_f

if __name__ == "__main__":
    import jax
    _d = setup_inputs()
    print(jax.jit(kernel)(*tuple(_d.values())))

</pallas_src>

<mosaic_0001>
#map = affine_map<(d0, d1) -> (0)>
#map1 = affine_map<(d0, d1) -> (0, 0)>
module attributes {stable_mosaic.version = 14 : i64} {
  func.func @_body(%arg0: i32, %arg1: i32, %arg2: memref<320000xi32, #tpu.memory_space<hbm>>, %arg3: memref<320000xi32, #tpu.memory_space<hbm>>, %arg4: memref<3000x128xf32, #tpu.memory_space<hbm>>, %arg5: memref<320000x128xf32, #tpu.memory_space<hbm>>, %arg6: memref<400xi32, #tpu.memory_space<vmem>>, %arg7: memref<400xi32, #tpu.memory_space<vmem>>, %arg8: memref<400xi32, #tpu.memory_space<vmem>>, %arg9: memref<400xi32, #tpu.memory_space<vmem>>, %arg10: memref<400xi32, #tpu.memory_space<vmem>>, %arg11: memref<400xi32, #tpu.memory_space<vmem>>, %arg12: memref<400x128xf32, #tpu.memory_space<vmem>>, %arg13: memref<400x128xf32, #tpu.memory_space<vmem>>, %arg14: memref<3000x128xf32, #tpu.memory_space<vmem_shared>>, %arg15: memref<!tpu.dma_semaphore, #tpu.memory_space<semaphore_mem>>, %arg16: memref<!tpu.dma_semaphore, #tpu.memory_space<semaphore_mem>>, %arg17: memref<!tpu.dma_semaphore, #tpu.memory_space<semaphore_mem>>, %arg18: memref<!tpu.dma_semaphore, #tpu.memory_space<semaphore_mem>>, %arg19: memref<!tpu.dma_semaphore, #tpu.memory_space<semaphore_mem>>, %arg20: memref<!tpu.dma_semaphore, #tpu.memory_space<semaphore_mem>>) attributes {dimension_semantics = [#tpu.dimension_semantics<core_parallel>, #tpu.dimension_semantics<subcore_parallel>], iteration_bounds = array<i64: 2, 16>, scalar_prefetch = 0 : i64, scratch_operands = 15 : i64, tpu.core_type = #tpu.core_type<sc_vector_subcore>, window_params = [{transform_indices = #map}, {transform_indices = #map}, {transform_indices = #map1}, {transform_indices = #map1}]} {
    %mul3A = arith.constant 2 : i32
    %mul3A_0 = arith.muli %arg1, %mul3A : i32
    %add3A = arith.addi %mul3A_0, %arg0 : i32
    %mul3A_1 = arith.constant 10000 : i32
    %mul3A_2 = arith.muli %add3A, %mul3A_1 : i32
    %add3A_3 = arith.constant 0 : i32
    %add3A_4 = arith.addi %mul3A_2, %add3A_3 : i32
    %dma_start3A = tpu.memref_slice %arg2[%add3A_4] : memref<320000xi32, #tpu.memory_space<hbm>> -> memref<400xi32, #tpu.memory_space<hbm>>
    %dma_start3A_5 = tpu.memref_slice %arg2[%add3A_4] : memref<320000xi32, #tpu.memory_space<hbm>> -> memref<400xi32, #tpu.memory_space<hbm>>
    tpu.enqueue_dma source(%dma_start3A_5 : memref<400xi32, #tpu.memory_space<hbm>>) target(%arg6 : memref<400xi32, #tpu.memory_space<vmem>>) target_semaphore(%arg15 : memref<!tpu.dma_semaphore, #tpu.memory_space<semaphore_mem>>)
    %dma_start3A_6 = tpu.memref_slice %arg3[%add3A_4] : memref<320000xi32, #tpu.memory_space<hbm>> -> memref<400xi32, #tpu.memory_space<hbm>>
    %dma_start3A_7 = tpu.memref_slice %arg3[%add3A_4] : memref<320000xi32, #tpu.memory_space<hbm>> -> memref<400xi32, #tpu.memory_space<hbm>>
    tpu.enqueue_dma source(%dma_start3A_7 : memref<400xi32, #tpu.memory_space<hbm>>) target(%arg8 : memref<400xi32, #tpu.memory_space<vmem>>) target_semaphore(%arg15 : memref<!tpu.dma_semaphore, #tpu.memory_space<semaphore_mem>>)
    %add3A_8 = arith.constant 400 : i32
    %add3A_9 = arith.addi %mul3A_2, %add3A_8 : i32
    %dma_start3A_10 = tpu.memref_slice %arg2[%add3A_9] : memref<320000xi32, #tpu.memory_space<hbm>> -> memref<400xi32, #tpu.memory_space<hbm>>
    %dma_start3A_11 = tpu.memref_slice %arg2[%add3A_9] : memref<320000xi32, #tpu.memory_space<hbm>> -> memref<400xi32, #tpu.memory_space<hbm>>
    tpu.enqueue_dma source(%dma_start3A_11 : memref<400xi32, #tpu.memory_space<hbm>>) target(%arg7 : memref<400xi32, #tpu.memory_space<vmem>>) target_semaphore(%arg16 : memref<!tpu.dma_semaphore, #tpu.memory_space<semaphore_mem>>)
    %dma_start3A_12 = tpu.memref_slice %arg3[%add3A_9] : memref<320000xi32, #tpu.memory_space<hbm>> -> memref<400xi32, #tpu.memory_space<hbm>>
    %dma_start3A_13 = tpu.memref_slice %arg3[%add3A_9] : memref<320000xi32, #tpu.memory_space<hbm>> -> memref<400xi32, #tpu.memory_space<hbm>>
    tpu.enqueue_dma source(%dma_start3A_13 : memref<400xi32, #tpu.memory_space<hbm>>) target(%arg9 : memref<400xi32, #tpu.memory_space<vmem>>) target_semaphore(%arg16 : memref<!tpu.dma_semaphore, #tpu.memory_space<semaphore_mem>>)
    %eq3A = arith.constant 0 : i32
    %eq3A_14 = arith.cmpi eq, %arg1, %eq3A : i32
    %convert_element_type3A = arith.extui %eq3A_14 : i1 to i32
    %cond3A = arith.constant 0 : i32
    %cond3A_15 = arith.cmpi ne, %convert_element_type3A, %cond3A : i32
    scf.if %cond3A_15 {
      "tpu.region"() ({
        %run_scoped3A = tpu.sem_alloc : memref<!tpu.dma_semaphore, #tpu.memory_space<semaphore_mem>>
        tpu.enqueue_dma source(%arg4 : memref<3000x128xf32, #tpu.memory_space<hbm>>) target(%arg14 : memref<3000x128xf32, #tpu.memory_space<vmem_shared>>) target_semaphore(%run_scoped3A : memref<!tpu.dma_semaphore, #tpu.memory_space<semaphore_mem>>)
        tpu.wait_dma2 semaphore(%run_scoped3A : memref<!tpu.dma_semaphore, #tpu.memory_space<semaphore_mem>>) src(%arg4 : memref<3000x128xf32, #tpu.memory_space<hbm>>) dst(%arg14 : memref<3000x128xf32, #tpu.memory_space<vmem_shared>>)
        tpu.yield
      }) : () -> ()
    } else {
    }
    %barrier3A = arith.constant 0 : index
    tpu.barrier barrier_id(%barrier3A)
    %add3A_16 = arith.constant 0 : i32
    %add3A_17 = arith.addi %mul3A_2, %add3A_16 : i32
    %dma_wait3A = tpu.memref_slice %arg2[%add3A_17] : memref<320000xi32, #tpu.memory_space<hbm>> -> memref<400xi32, #tpu.memory_space<hbm>>
    %dma_wait3A_18 = tpu.memref_slice %arg2[%add3A_17] : memref<320000xi32, #tpu.memory_space<hbm>> -> memref<400xi32, #tpu.memory_space<hbm>>
    tpu.wait_dma2 semaphore(%arg15 : memref<!tpu.dma_semaphore, #tpu.memory_space<semaphore_mem>>) src(%dma_wait3A_18 : memref<400xi32, #tpu.memory_space<hbm>>) dst(%arg6 : memref<400xi32, #tpu.memory_space<vmem>>)
    %dma_wait3A_19 = tpu.memref_slice %arg3[%add3A_17] : memref<320000xi32, #tpu.memory_space<hbm>> -> memref<400xi32, #tpu.memory_space<hbm>>
    %dma_wait3A_20 = tpu.memref_slice %arg3[%add3A_17] : memref<320000xi32, #tpu.memory_space<hbm>> -> memref<400xi32, #tpu.memory_space<hbm>>
    tpu.wait_dma2 semaphore(%arg15 : memref<!tpu.dma_semaphore, #tpu.memory_space<semaphore_mem>>) src(%dma_wait3A_20 : memref<400xi32, #tpu.memory_space<hbm>>) dst(%arg8 : memref<400xi32, #tpu.memory_space<vmem>>)
    %scan3A = arith.constant 0 : i32
    %scan3A_21 = arith.constant 0 : i32
    %scan3A_22 = arith.constant 25 : i32
    %scan3A_23 = arith.addi %scan3A_21, %scan3A_22 : i32
    %scan3A_24 = arith.constant 1 : i32
    scf.for %scan3A_188 = %scan3A_21 to %scan3A_23 step %scan3A_24  : i32 {
      %mul3A_189 = arith.constant 16 : i32
      %mul3A_190 = arith.muli %scan3A_188, %mul3A_189 : i32
      %get3A = arith.index_cast %mul3A_190 : i32 to index
      %get3A_191 = tpu.vector_load %arg6[%get3A] {strides = array<i32>} : memref<400xi32, #tpu.memory_space<vmem>>, vector<16xi32>,
      %get3A_192 = vector.shape_cast %get3A_191 : vector<16xi32> to vector<16xi32>
      %mul3A_193 = arith.constant 16 : i32
      %mul3A_194 = arith.muli %scan3A_188, %mul3A_193 : i32
      %get3A_195 = arith.index_cast %mul3A_194 : i32 to index
      %get3A_196 = tpu.vector_load %arg8[%get3A_195] {strides = array<i32>} : memref<400xi32, #tpu.memory_space<vmem>>, vector<16xi32>,
      %get3A_197 = vector.shape_cast %get3A_196 : vector<16xi32> to vector<16xi32>
      %sub3A = arith.subi %get3A_192, %get3A_197 : vector<16xi32>
      %abs3A = math.absi %sub3A : vector<16xi32>
      %sub3A_198 = arith.constant 1 : i32
      %sub3A_199 = vector.broadcast %sub3A_198 : i32 to vector<16xi32>
      %sub3A_200 = arith.subi %abs3A, %sub3A_199 : vector<16xi32>
      %mul3A_201 = arith.muli %get3A_192, %get3A_197 : vector<16xi32>
      %mul3A_202 = arith.muli %sub3A_200, %sub3A_200 : vector<16xi32>
      %shift_right_arithmetic3A = arith.constant 2 : i32
      %shift_right_arithmetic3A_203 = vector.broadcast %shift_right_arithmetic3A : i32 to vector<16xi32>
      %shift_right_arithmetic3A_204 = arith.shrsi %mul3A_202, %shift_right_arithmetic3A_203 : vector<16xi32>
      %add3A_205 = arith.addi %mul3A_201, %shift_right_arithmetic3A_204 : vector<16xi32>
      %mul3A_206 = arith.constant 16 : i32
      %mul3A_207 = arith.muli %scan3A_188, %mul3A_206 : i32
      %swap3A = arith.index_cast %mul3A_207 : i32 to index
      %swap3A_208 = tpu.vector_load %arg10[%swap3A] {strides = array<i32>} : memref<400xi32, #tpu.memory_space<vmem>>, vector<16xi32>,
      %swap3A_209 = vector.shape_cast %swap3A_208 : vector<16xi32> to vector<16xi32>
      %swap3A_210 = vector.shape_cast %add3A_205 : vector<16xi32> to vector<16xi32>
      tpu.vector_store %arg10[%swap3A], %swap3A_210 {strides = array<i32>} : memref<400xi32, #tpu.memory_space<vmem>>, vector<16xi32>,
    }
    %scan3A_25 = arith.constant 25 : i32
    %add3A_26 = arith.constant 800 : i32
    %add3A_27 = arith.addi %mul3A_2, %add3A_26 : i32
    %dma_start3A_28 = tpu.memref_slice %arg2[%add3A_27] : memref<320000xi32, #tpu.memory_space<hbm>> -> memref<400xi32, #tpu.memory_space<hbm>>
    %dma_start3A_29 = tpu.memref_slice %arg2[%add3A_27] : memref<320000xi32, #tpu.memory_space<hbm>> -> memref<400xi32, #tpu.memory_space<hbm>>
    tpu.enqueue_dma source(%dma_start3A_29 : memref<400xi32, #tpu.memory_space<hbm>>) target(%arg6 : memref<400xi32, #tpu.memory_space<vmem>>) target_semaphore(%arg15 : memref<!tpu.dma_semaphore, #tpu.memory_space<semaphore_mem>>)
    %dma_start3A_30 = tpu.memref_slice %arg3[%add3A_27] : memref<320000xi32, #tpu.memory_space<hbm>> -> memref<400xi32, #tpu.memory_space<hbm>>
    %dma_start3A_31 = tpu.memref_slice %arg3[%add3A_27] : memref<320000xi32, #tpu.memory_space<hbm>> -> memref<400xi32, #tpu.memory_space<hbm>>
    tpu.enqueue_dma source(%dma_start3A_31 : memref<400xi32, #tpu.memory_space<hbm>>) target(%arg8 : memref<400xi32, #tpu.memory_space<vmem>>) target_semaphore(%arg15 : memref<!tpu.dma_semaphore, #tpu.memory_space<semaphore_mem>>)
    %dma_start3A_32 = arith.constant 0 : i32
    %dma_start3A_33 = arith.constant 0 : i32
    %dma_start3A_34 = tpu.memref_slice %arg14[%dma_start3A_32, %dma_start3A_33] : memref<3000x128xf32, #tpu.memory_space<vmem_shared>> -> memref<3000x128xf32, #tpu.memory_space<vmem_shared>>
    tpu.enqueue_indirect_dma source(%dma_start3A_34 : memref<3000x128xf32, #tpu.memory_space<vmem_shared>>) target(%arg12 : memref<400x128xf32, #tpu.memory_space<vmem>>) offsets(%arg10 : memref<400xi32, #tpu.memory_space<vmem>>) semaphore(%arg17 : memref<!tpu.dma_semaphore, #tpu.memory_space<semaphore_mem>>)
    %add3A_35 = arith.constant 400 : i32
    %add3A_36 = arith.addi %mul3A_2, %add3A_35 : i32
    %dma_wait3A_37 = tpu.memref_slice %arg2[%add3A_36] : memref<320000xi32, #tpu.memory_space<hbm>> -> memref<400xi32, #tpu.memory_space<hbm>>
    %dma_wait3A_38 = tpu.memref_slice %arg2[%add3A_36] : memref<320000xi32, #tpu.memory_space<hbm>> -> memref<400xi32, #tpu.memory_space<hbm>>
    tpu.wait_dma2 semaphore(%arg16 : memref<!tpu.dma_semaphore, #tpu.memory_space<semaphore_mem>>) src(%dma_wait3A_38 : memref<400xi32, #tpu.memory_space<hbm>>) dst(%arg7 : memref<400xi32, #tpu.memory_space<vmem>>)
    %dma_wait3A_39 = tpu.memref_slice %arg3[%add3A_36] : memref<320000xi32, #tpu.memory_space<hbm>> -> memref<400xi32, #tpu.memory_space<hbm>>
    %dma_wait3A_40 = tpu.memref_slice %arg3[%add3A_36] : memref<320000xi32, #tpu.memory_space<hbm>> -> memref<400xi32, #tpu.memory_space<hbm>>
    tpu.wait_dma2 semaphore(%arg16 : memref<!tpu.dma_semaphore, #tpu.memory_space<semaphore_mem>>) src(%dma_wait3A_40 : memref<400xi32, #tpu.memory_space<hbm>>) dst(%arg9 : memref<400xi32, #tpu.memory_space<vmem>>)
    %scan3A_41 = arith.constant 0 : i32
    %scan3A_42 = arith.constant 0 : i32
    %scan3A_43 = arith.constant 25 : i32
    %scan3A_44 = arith.addi %scan3A_42, %scan3A_43 : i32
    %scan3A_45 = arith.constant 1 : i32
    scf.for %scan3A_188 = %scan3A_42 to %scan3A_44 step %scan3A_45  : i32 {
      %mul3A_189 = arith.constant 16 : i32
      %mul3A_190 = arith.muli %scan3A_188, %mul3A_189 : i32
      %get3A = arith.index_cast %mul3A_190 : i32 to index
      %get3A_191 = tpu.vector_load %arg7[%get3A] {strides = array<i32>} : memref<400xi32, #tpu.memory_space<vmem>>, vector<16xi32>,
      %get3A_192 = vector.shape_cast %get3A_191 : vector<16xi32> to vector<16xi32>
      %mul3A_193 = arith.constant 16 : i32
      %mul3A_194 = arith.muli %scan3A_188, %mul3A_193 : i32
      %get3A_195 = arith.index_cast %mul3A_194 : i32 to index
      %get3A_196 = tpu.vector_load %arg9[%get3A_195] {strides = array<i32>} : memref<400xi32, #tpu.memory_space<vmem>>, vector<16xi32>,
      %get3A_197 = vector.shape_cast %get3A_196 : vector<16xi32> to vector<16xi32>
      %sub3A = arith.subi %get3A_192, %get3A_197 : vector<16xi32>
      %abs3A = math.absi %sub3A : vector<16xi32>
      %sub3A_198 = arith.constant 1 : i32
      %sub3A_199 = vector.broadcast %sub3A_198 : i32 to vector<16xi32>
      %sub3A_200 = arith.subi %abs3A, %sub3A_199 : vector<16xi32>
      %mul3A_201 = arith.muli %get3A_192, %get3A_197 : vector<16xi32>
      %mul3A_202 = arith.muli %sub3A_200, %sub3A_200 : vector<16xi32>
      %shift_right_arithmetic3A = arith.constant 2 : i32
      %shift_right_arithmetic3A_203 = vector.broadcast %shift_right_arithmetic3A : i32 to vector<16xi32>
      %shift_right_arithmetic3A_204 = arith.shrsi %mul3A_202, %shift_right_arithmetic3A_203 : vector<16xi32>
      %add3A_205 = arith.addi %mul3A_201, %shift_right_arithmetic3A_204 : vector<16xi32>
      %mul3A_206 = arith.constant 16 : i32
      %mul3A_207 = arith.muli %scan3A_188, %mul3A_206 : i32
      %swap3A = arith.index_cast %mul3A_207 : i32 to index
      %swap3A_208 = tpu.vector_load %arg11[%swap3A] {strides = array<i32>} : memref<400xi32, #tpu.memory_space<vmem>>, vector<16xi32>,
      %swap3A_209 = vector.shape_cast %swap3A_208 : vector<16xi32> to vector<16xi32>
      %swap3A_210 = vector.shape_cast %add3A_205 : vector<16xi32> to vector<16xi32>
      tpu.vector_store %arg11[%swap3A], %swap3A_210 {strides = array<i32>} : memref<400xi32, #tpu.memory_space<vmem>>, vector<16xi32>,
    }
    %scan3A_46 = arith.constant 25 : i32
    %add3A_47 = arith.constant 1200 : i32
    %add3A_48 = arith.addi %mul3A_2, %add3A_47 : i32
    %dma_start3A_49 = tpu.memref_slice %arg2[%add3A_48] : memref<320000xi32, #tpu.memory_space<hbm>> -> memref<400xi32, #tpu.memory_space<hbm>>
    %dma_start3A_50 = tpu.memref_slice %arg2[%add3A_48] : memref<320000xi32, #tpu.memory_space<hbm>> -> memref<400xi32, #tpu.memory_space<hbm>>
    tpu.enqueue_dma source(%dma_start3A_50 : memref<400xi32, #tpu.memory_space<hbm>>) target(%arg7 : memref<400xi32, #tpu.memory_space<vmem>>) target_semaphore(%arg16 : memref<!tpu.dma_semaphore, #tpu.memory_space<semaphore_mem>>)
    %dma_start3A_51 = tpu.memref_slice %arg3[%add3A_48] : memref<320000xi32, #tpu.memory_space<hbm>> -> memref<400xi32, #tpu.memory_space<hbm>>
    %dma_start3A_52 = tpu.memref_slice %arg3[%add3A_48] : memref<320000xi32, #tpu.memory_space<hbm>> -> memref<400xi32, #tpu.memory_space<hbm>>
    tpu.enqueue_dma source(%dma_start3A_52 : memref<400xi32, #tpu.memory_space<hbm>>) target(%arg9 : memref<400xi32, #tpu.memory_space<vmem>>) target_semaphore(%arg16 : memref<!tpu.dma_semaphore, #tpu.memory_space<semaphore_mem>>)
    %dma_wait3A_53 = arith.constant 0 : i32
    %dma_wait3A_54 = arith.constant 0 : i32
    %dma_wait3A_55 = tpu.memref_slice %arg14[%dma_wait3A_53, %dma_wait3A_54] : memref<3000x128xf32, #tpu.memory_space<vmem_shared>> -> memref<3000x128xf32, #tpu.memory_space<vmem_shared>>
    tpu.wait_indirect_dma semaphore(%arg17 : memref<!tpu.dma_semaphore, #tpu.memory_space<semaphore_mem>>) src(%dma_wait3A_55 : memref<3000x128xf32, #tpu.memory_space<vmem_shared>>) dst(%arg12 : memref<400x128xf32, #tpu.memory_space<vmem>>)
    %add3A_56 = arith.constant 0 : i32
    %add3A_57 = arith.addi %mul3A_2, %add3A_56 : i32
    %dma_start3A_58 = arith.constant 0 : i32
    %dma_start3A_59 = tpu.memref_slice %arg5[%add3A_57, %dma_start3A_58] : memref<320000x128xf32, #tpu.memory_space<hbm>> -> memref<400x128xf32, #tpu.memory_space<hbm>>
    %dma_start3A_60 = arith.constant 0 : i32
    %dma_start3A_61 = tpu.memref_slice %arg5[%add3A_57, %dma_start3A_60] : memref<320000x128xf32, #tpu.memory_space<hbm>> -> memref<400x128xf32, #tpu.memory_space<hbm>>
    tpu.enqueue_dma source(%arg12 : memref<400x128xf32, #tpu.memory_space<vmem>>) target(%dma_start3A_61 : memref<400x128xf32, #tpu.memory_space<hbm>>) target_semaphore(%arg19 : memref<!tpu.dma_semaphore, #tpu.memory_space<semaphore_mem>>)
    %dma_start3A_62 = arith.constant 0 : i32
    %dma_start3A_63 = arith.constant 0 : i32
    %dma_start3A_64 = tpu.memref_slice %arg14[%dma_start3A_62, %dma_start3A_63] : memref<3000x128xf32, #tpu.memory_space<vmem_shared>> -> memref<3000x128xf32, #tpu.memory_space<vmem_shared>>
    tpu.enqueue_indirect_dma source(%dma_start3A_64 : memref<3000x128xf32, #tpu.memory_space<vmem_shared>>) target(%arg13 : memref<400x128xf32, #tpu.memory_space<vmem>>) offsets(%arg11 : memref<400xi32, #tpu.memory_space<vmem>>) semaphore(%arg18 : memref<!tpu.dma_semaphore, #tpu.memory_space<semaphore_mem>>)
    %add3A_65 = arith.constant 800 : i32
    %add3A_66 = arith.addi %mul3A_2, %add3A_65 : i32
    %dma_wait3A_67 = tpu.memref_slice %arg2[%add3A_66] : memref<320000xi32, #tpu.memory_space<hbm>> -> memref<400xi32, #tpu.memory_space<hbm>>
    %dma_wait3A_68 = tpu.memref_slice %arg2[%add3A_66] : memref<320000xi32, #tpu.memory_space<hbm>> -> memref<400xi32, #tpu.memory_space<hbm>>
    tpu.wait_dma2 semaphore(%arg15 : memref<!tpu.dma_semaphore, #tpu.memory_space<semaphore_mem>>) src(%dma_wait3A_68 : memref<400xi32, #tpu.memory_space<hbm>>) dst(%arg6 : memref<400xi32, #tpu.memory_space<vmem>>)
    %dma_wait3A_69 = tpu.memref_slice %arg3[%add3A_66] : memref<320000xi32, #tpu.memory_space<hbm>> -> memref<400xi32, #tpu.memory_space<hbm>>
    %dma_wait3A_70 = tpu.memref_slice %arg3[%add3A_66] : memref<320000xi32, #tpu.memory_space<hbm>> -> memref<400xi32, #tpu.memory_space<hbm>>
    tpu.wait_dma2 semaphore(%arg15 : memref<!tpu.dma_semaphore, #tpu.memory_space<semaphore_mem>>) src(%dma_wait3A_70 : memref<400xi32, #tpu.memory_space<hbm>>) dst(%arg8 : memref<400xi32, #tpu.memory_space<vmem>>)
    %scan3A_71 = arith.constant 0 : i32
    %scan3A_72 = arith.constant 0 : i32
    %scan3A_73 = arith.constant 25 : i32
    %scan3A_74 = arith.addi %scan3A_72, %scan3A_73 : i32
    %scan3A_75 = arith.constant 1 : i32
    scf.for %scan3A_188 = %scan3A_72 to %scan3A_74 step %scan3A_75  : i32 {
      %mul3A_189 = arith.constant 16 : i32
      %mul3A_190 = arith.muli %scan3A_188, %mul3A_189 : i32
      %get3A = arith.index_cast %mul3A_190 : i32 to index
      %get3A_191 = tpu.vector_load %arg6[%get3A] {strides = array<i32>} : memref<400xi32, #tpu.memory_space<vmem>>, vector<16xi32>,
      %get3A_192 = vector.shape_cast %get3A_191 : vector<16xi32> to vector<16xi32>
      %mul3A_193 = arith.constant 16 : i32
      %mul3A_194 = arith.muli %scan3A_188, %mul3A_193 : i32
      %get3A_195 = arith.index_cast %mul3A_194 : i32 to index
      %get3A_196 = tpu.vector_load %arg8[%get3A_195] {strides = array<i32>} : memref<400xi32, #tpu.memory_space<vmem>>, vector<16xi32>,
      %get3A_197 = vector.shape_cast %get3A_196 : vector<16xi32> to vector<16xi32>
      %sub3A = arith.subi %get3A_192, %get3A_197 : vector<16xi32>
      %abs3A = math.absi %sub3A : vector<16xi32>
      %sub3A_198 = arith.constant 1 : i32
      %sub3A_199 = vector.broadcast %sub3A_198 : i32 to vector<16xi32>
      %sub3A_200 = arith.subi %abs3A, %sub3A_199 : vector<16xi32>
      %mul3A_201 = arith.muli %get3A_192, %get3A_197 : vector<16xi32>
      %mul3A_202 = arith.muli %sub3A_200, %sub3A_200 : vector<16xi32>
      %shift_right_arithmetic3A = arith.constant 2 : i32
      %shift_right_arithmetic3A_203 = vector.broadcast %shift_right_arithmetic3A : i32 to vector<16xi32>
      %shift_right_arithmetic3A_204 = arith.shrsi %mul3A_202, %shift_right_arithmetic3A_203 : vector<16xi32>
      %add3A_205 = arith.addi %mul3A_201, %shift_right_arithmetic3A_204 : vector<16xi32>
      %mul3A_206 = arith.constant 16 : i32
      %mul3A_207 = arith.muli %scan3A_188, %mul3A_206 : i32
      %swap3A = arith.index_cast %mul3A_207 : i32 to index
      %swap3A_208 = tpu.vector_load %arg10[%swap3A] {strides = array<i32>} : memref<400xi32, #tpu.memory_space<vmem>>, vector<16xi32>,
      %swap3A_209 = vector.shape_cast %swap3A_208 : vector<16xi32> to vector<16xi32>
      %swap3A_210 = vector.shape_cast %add3A_205 : vector<16xi32> to vector<16xi32>
      tpu.vector_store %arg10[%swap3A], %swap3A_210 {strides = array<i32>} : memref<400xi32, #tpu.memory_space<vmem>>, vector<16xi32>,
    }
    %scan3A_76 = arith.constant 25 : i32
    %add3A_77 = arith.constant 1600 : i32
    %add3A_78 = arith.addi %mul3A_2, %add3A_77 : i32
    %dma_start3A_79 = tpu.memref_slice %arg2[%add3A_78] : memref<320000xi32, #tpu.memory_space<hbm>> -> memref<400xi32, #tpu.memory_space<hbm>>
    %dma_start3A_80 = tpu.memref_slice %arg2[%add3A_78] : memref<320000xi32, #tpu.memory_space<hbm>> -> memref<400xi32, #tpu.memory_space<hbm>>
    tpu.enqueue_dma source(%dma_start3A_80 : memref<400xi32, #tpu.memory_space<hbm>>) target(%arg6 : memref<400xi32, #tpu.memory_space<vmem>>) target_semaphore(%arg15 : memref<!tpu.dma_semaphore, #tpu.memory_space<semaphore_mem>>)
    %dma_start3A_81 = tpu.memref_slice %arg3[%add3A_78] : memref<320000xi32, #tpu.memory_space<hbm>> -> memref<400xi32, #tpu.memory_space<hbm>>
    %dma_start3A_82 = tpu.memref_slice %arg3[%add3A_78] : memref<320000xi32, #tpu.memory_space<hbm>> -> memref<400xi32, #tpu.memory_space<hbm>>
    tpu.enqueue_dma source(%dma_start3A_82 : memref<400xi32, #tpu.memory_space<hbm>>) target(%arg8 : memref<400xi32, #tpu.memory_space<vmem>>) target_semaphore(%arg15 : memref<!tpu.dma_semaphore, #tpu.memory_space<semaphore_mem>>)
    %dma_wait3A_83 = arith.constant 0 : i32
    %dma_wait3A_84 = arith.constant 0 : i32
    %dma_wait3A_85 = tpu.memref_slice %arg14[%dma_wait3A_83, %dma_wait3A_84] : memref<3000x128xf32, #tpu.memory_space<vmem_shared>> -> memref<3000x128xf32, #tpu.memory_space<vmem_shared>>
    tpu.wait_indirect_dma semaphore(%arg18 : memref<!tpu.dma_semaphore, #tpu.memory_space<semaphore_mem>>) src(%dma_wait3A_85 : memref<3000x128xf32, #tpu.memory_space<vmem_shared>>) dst(%arg13 : memref<400x128xf32, #tpu.memory_space<vmem>>)
    %add3A_86 = arith.constant 400 : i32
    %add3A_87 = arith.addi %mul3A_2, %add3A_86 : i32
    %dma_start3A_88 = arith.constant 0 : i32
    %dma_start3A_89 = tpu.memref_slice %arg5[%add3A_87, %dma_start3A_88] : memref<320000x128xf32, #tpu.memory_space<hbm>> -> memref<400x128xf32, #tpu.memory_space<hbm>>
    %dma_start3A_90 = arith.constant 0 : i32
    %dma_start3A_91 = tpu.memref_slice %arg5[%add3A_87, %dma_start3A_90] : memref<320000x128xf32, #tpu.memory_space<hbm>> -> memref<400x128xf32, #tpu.memory_space<hbm>>
    tpu.enqueue_dma source(%arg13 : memref<400x128xf32, #tpu.memory_space<vmem>>) target(%dma_start3A_91 : memref<400x128xf32, #tpu.memory_space<hbm>>) target_semaphore(%arg20 : memref<!tpu.dma_semaphore, #tpu.memory_space<semaphore_mem>>)
    %scan3A_92 = arith.constant 0 : i32
    %scan3A_93 = arith.constant 0 : i32
    %scan3A_94 = arith.constant 10 : i32
    %scan3A_95 = arith.addi %scan3A_93, %scan3A_94 : i32
    %scan3A_96 = arith.constant 1 : i32
    scf.for %scan3A_188 = %scan3A_93 to %scan3A_95 step %scan3A_96  : i32 {
      %mul3A_189 = arith.constant 2 : i32
      %mul3A_190 = arith.muli %mul3A_189, %scan3A_188 : i32
      %add3A_191 = arith.constant 2 : i32
      %add3A_192 = arith.addi %add3A_191, %mul3A_190 : i32
      %sub3A = arith.constant 2 : i32
      %sub3A_193 = arith.subi %add3A_192, %sub3A : i32
      %mul3A_194 = arith.constant 400 : i32
      %mul3A_195 = arith.muli %sub3A_193, %mul3A_194 : i32
      %add3A_196 = arith.addi %mul3A_2, %mul3A_195 : i32
      %dma_wait3A_197 = arith.constant 0 : i32
      %dma_wait3A_198 = tpu.memref_slice %arg5[%add3A_196, %dma_wait3A_197] : memref<320000x128xf32, #tpu.memory_space<hbm>> -> memref<400x128xf32, #tpu.memory_space<hbm>>
      %dma_wait3A_199 = arith.constant 0 : i32
      %dma_wait3A_200 = tpu.memref_slice %arg5[%add3A_196, %dma_wait3A_199] : memref<320000x128xf32, #tpu.memory_space<hbm>> -> memref<400x128xf32, #tpu.memory_space<hbm>>
      tpu.wait_dma2 semaphore(%arg19 : memref<!tpu.dma_semaphore, #tpu.memory_space<semaphore_mem>>) src(%arg12 : memref<400x128xf32, #tpu.memory_space<vmem>>) dst(%dma_wait3A_200 : memref<400x128xf32, #tpu.memory_space<hbm>>)
      %dma_start3A_201 = arith.constant 0 : i32
      %dma_start3A_202 = arith.constant 0 : i32
      %dma_start3A_203 = tpu.memref_slice %arg14[%dma_start3A_201, %dma_start3A_202] : memref<3000x128xf32, #tpu.memory_space<vmem_shared>> -> memref<3000x128xf32, #tpu.memory_space<vmem_shared>>
      tpu.enqueue_indirect_dma source(%dma_start3A_203 : memref<3000x128xf32, #tpu.memory_space<vmem_shared>>) target(%arg12 : memref<400x128xf32, #tpu.memory_space<vmem>>) offsets(%arg10 : memref<400xi32, #tpu.memory_space<vmem>>) semaphore(%arg17 : memref<!tpu.dma_semaphore, #tpu.memory_space<semaphore_mem>>)
      %add3A_204 = arith.constant 1 : i32
      %add3A_205 = arith.addi %add3A_192, %add3A_204 : i32
      %mul3A_206 = arith.constant 400 : i32
      %mul3A_207 = arith.muli %add3A_205, %mul3A_206 : i32
      %add3A_208 = arith.addi %mul3A_2, %mul3A_207 : i32
      %dma_wait3A_209 = tpu.memref_slice %arg2[%add3A_208] : memref<320000xi32, #tpu.memory_space<hbm>> -> memref<400xi32, #tpu.memory_space<hbm>>
      %dma_wait3A_210 = tpu.memref_slice %arg2[%add3A_208] : memref<320000xi32, #tpu.memory_space<hbm>> -> memref<400xi32, #tpu.memory_space<hbm>>
      tpu.wait_dma2 semaphore(%arg16 : memref<!tpu.dma_semaphore, #tpu.memory_space<semaphore_mem>>) src(%dma_wait3A_210 : memref<400xi32, #tpu.memory_space<hbm>>) dst(%arg7 : memref<400xi32, #tpu.memory_space<vmem>>)
      %dma_wait3A_211 = tpu.memref_slice %arg3[%add3A_208] : memref<320000xi32, #tpu.memory_space<hbm>> -> memref<400xi32, #tpu.memory_space<hbm>>
      %dma_wait3A_212 = tpu.memref_slice %arg3[%add3A_208] : memref<320000xi32, #tpu.memory_space<hbm>> -> memref<400xi32, #tpu.memory_space<hbm>>
      tpu.wait_dma2 semaphore(%arg16 : memref<!tpu.dma_semaphore, #tpu.memory_space<semaphore_mem>>) src(%dma_wait3A_212 : memref<400xi32, #tpu.memory_space<hbm>>) dst(%arg9 : memref<400xi32, #tpu.memory_space<vmem>>)
      %scan3A_213 = arith.constant 0 : i32
      %scan3A_214 = arith.constant 0 : i32
      %scan3A_215 = arith.constant 25 : i32
      %scan3A_216 = arith.addi %scan3A_214, %scan3A_215 : i32
      %scan3A_217 = arith.constant 1 : i32
      scf.for %scan3A_286 = %scan3A_214 to %scan3A_216 step %scan3A_217  : i32 {
        %mul3A_287 = arith.constant 16 : i32
        %mul3A_288 = arith.muli %scan3A_286, %mul3A_287 : i32
        %get3A = arith.index_cast %mul3A_288 : i32 to index
        %get3A_289 = tpu.vector_load %arg7[%get3A] {strides = array<i32>} : memref<400xi32, #tpu.memory_space<vmem>>, vector<16xi32>,
        %get3A_290 = vector.shape_cast %get3A_289 : vector<16xi32> to vector<16xi32>
        %mul3A_291 = arith.constant 16 : i32
        %mul3A_292 = arith.muli %scan3A_286, %mul3A_291 : i32
        %get3A_293 = arith.index_cast %mul3A_292 : i32 to index
        %get3A_294 = tpu.vector_load %arg9[%get3A_293] {strides = array<i32>} : memref<400xi32, #tpu.memory_space<vmem>>, vector<16xi32>,
        %get3A_295 = vector.shape_cast %get3A_294 : vector<16xi32> to vector<16xi32>
        %sub3A_296 = arith.subi %get3A_290, %get3A_295 : vector<16xi32>
        %abs3A = math.absi %sub3A_296 : vector<16xi32>
        %sub3A_297 = arith.constant 1 : i32
        %sub3A_298 = vector.broadcast %sub3A_297 : i32 to vector<16xi32>
        %sub3A_299 = arith.subi %abs3A, %sub3A_298 : vector<16xi32>
        %mul3A_300 = arith.muli %get3A_290, %get3A_295 : vector<16xi32>
        %mul3A_301 = arith.muli %sub3A_299, %sub3A_299 : vector<16xi32>
        %shift_right_arithmetic3A = arith.constant 2 : i32
        %shift_right_arithmetic3A_302 = vector.broadcast %shift_right_arithmetic3A : i32 to vector<16xi32>
        %shift_right_arithmetic3A_303 = arith.shrsi %mul3A_301, %shift_right_arithmetic3A_302 : vector<16xi32>
        %add3A_304 = arith.addi %mul3A_300, %shift_right_arithmetic3A_303 : vector<16xi32>
        %mul3A_305 = arith.constant 16 : i32
        %mul3A_306 = arith.muli %scan3A_286, %mul3A_305 : i32
        %swap3A = arith.index_cast %mul3A_306 : i32 to index
        %swap3A_307 = tpu.vector_load %arg11[%swap3A] {strides = array<i32>} : memref<400xi32, #tpu.memory_space<vmem>>, vector<16xi32>,
        %swap3A_308 = vector.shape_cast %swap3A_307 : vector<16xi32> to vector<16xi32>
        %swap3A_309 = vector.shape_cast %add3A_304 : vector<16xi32> to vector<16xi32>
        tpu.vector_store %arg11[%swap3A], %swap3A_309 {strides = array<i32>} : memref<400xi32, #tpu.memory_space<vmem>>, vector<16xi32>,
      }
      %scan3A_218 = arith.constant 25 : i32
      %add3A_219 = arith.constant 3 : i32
      %add3A_220 = arith.addi %add3A_192, %add3A_219 : i32
      %mul3A_221 = arith.constant 400 : i32
      %mul3A_222 = arith.muli %add3A_220, %mul3A_221 : i32
      %add3A_223 = arith.addi %mul3A_2, %mul3A_222 : i32
      %dma_start3A_224 = tpu.memref_slice %arg2[%add3A_223] : memref<320000xi32, #tpu.memory_space<hbm>> -> memref<400xi32, #tpu.memory_space<hbm>>
      %dma_start3A_225 = tpu.memref_slice %arg2[%add3A_223] : memref<320000xi32, #tpu.memory_space<hbm>> -> memref<400xi32, #tpu.memory_space<hbm>>
      tpu.enqueue_dma source(%dma_start3A_225 : memref<400xi32, #tpu.memory_space<hbm>>) target(%arg7 : memref<400xi32, #tpu.memory_space<vmem>>) target_semaphore(%arg16 : memref<!tpu.dma_semaphore, #tpu.memory_space<semaphore_mem>>)
      %dma_start3A_226 = tpu.memref_slice %arg3[%add3A_223] : memref<320000xi32, #tpu.memory_space<hbm>> -> memref<400xi32, #tpu.memory_space<hbm>>
      %dma_start3A_227 = tpu.memref_slice %arg3[%add3A_223] : memref<320000xi32, #tpu.memory_space<hbm>> -> memref<400xi32, #tpu.memory_space<hbm>>
      tpu.enqueue_dma source(%dma_start3A_227 : memref<400xi32, #tpu.memory_space<hbm>>) target(%arg9 : memref<400xi32, #tpu.memory_space<vmem>>) target_semaphore(%arg16 : memref<!tpu.dma_semaphore, #tpu.memory_space<semaphore_mem>>)
      %dma_wait3A_228 = arith.constant 0 : i32
      %dma_wait3A_229 = arith.constant 0 : i32
      %dma_wait3A_230 = tpu.memref_slice %arg14[%dma_wait3A_228, %dma_wait3A_229] : memref<3000x128xf32, #tpu.memory_space<vmem_shared>> -> memref<3000x128xf32, #tpu.memory_space<vmem_shared>>
      tpu.wait_indirect_dma semaphore(%arg17 : memref<!tpu.dma_semaphore, #tpu.memory_space<semaphore_mem>>) src(%dma_wait3A_230 : memref<3000x128xf32, #tpu.memory_space<vmem_shared>>) dst(%arg12 : memref<400x128xf32, #tpu.memory_space<vmem>>)
      %mul3A_231 = arith.constant 400 : i32
      %mul3A_232 = arith.muli %add3A_192, %mul3A_231 : i32
      %add3A_233 = arith.addi %mul3A_2, %mul3A_232 : i32
      %dma_start3A_234 = arith.constant 0 : i32
      %dma_start3A_235 = tpu.memref_slice %arg5[%add3A_233, %dma_start3A_234] : memref<320000x128xf32, #tpu.memory_space<hbm>> -> memref<400x128xf32, #tpu.memory_space<hbm>>
      %dma_start3A_236 = arith.constant 0 : i32
      %dma_start3A_237 = tpu.memref_slice %arg5[%add3A_233, %dma_start3A_236] : memref<320000x128xf32, #tpu.memory_space<hbm>> -> memref<400x128xf32, #tpu.memory_space<hbm>>
      tpu.enqueue_dma source(%arg12 : memref<400x128xf32, #tpu.memory_space<vmem>>) target(%dma_start3A_237 : memref<400x128xf32, #tpu.memory_space<hbm>>) target_semaphore(%arg19 : memref<!tpu.dma_semaphore, #tpu.memory_space<semaphore_mem>>)
      %sub3A_238 = arith.constant 1 : i32
      %sub3A_239 = arith.subi %add3A_192, %sub3A_238 : i32
      %mul3A_240 = arith.constant 400 : i32
      %mul3A_241 = arith.muli %sub3A_239, %mul3A_240 : i32
      %add3A_242 = arith.addi %mul3A_2, %mul3A_241 : i32
      %dma_wait3A_243 = arith.constant 0 : i32
      %dma_wait3A_244 = tpu.memref_slice %arg5[%add3A_242, %dma_wait3A_243] : memref<320000x128xf32, #tpu.memory_space<hbm>> -> memref<400x128xf32, #tpu.memory_space<hbm>>
      %dma_wait3A_245 = arith.constant 0 : i32
      %dma_wait3A_246 = tpu.memref_slice %arg5[%add3A_242, %dma_wait3A_245] : memref<320000x128xf32, #tpu.memory_space<hbm>> -> memref<400x128xf32, #tpu.memory_space<hbm>>
      tpu.wait_dma2 semaphore(%arg20 : memref<!tpu.dma_semaphore, #tpu.memory_space<semaphore_mem>>) src(%arg13 : memref<400x128xf32, #tpu.memory_space<vmem>>) dst(%dma_wait3A_246 : memref<400x128xf32, #tpu.memory_space<hbm>>)
      %dma_start3A_247 = arith.constant 0 : i32
      %dma_start3A_248 = arith.constant 0 : i32
      %dma_start3A_249 = tpu.memref_slice %arg14[%dma_start3A_247, %dma_start3A_248] : memref<3000x128xf32, #tpu.memory_space<vmem_shared>> -> memref<3000x128xf32, #tpu.memory_space<vmem_shared>>
      tpu.enqueue_indirect_dma source(%dma_start3A_249 : memref<3000x128xf32, #tpu.memory_space<vmem_shared>>) target(%arg13 : memref<400x128xf32, #tpu.memory_space<vmem>>) offsets(%arg11 : memref<400xi32, #tpu.memory_space<vmem>>) semaphore(%arg18 : memref<!tpu.dma_semaphore, #tpu.memory_space<semaphore_mem>>)
      %add3A_250 = arith.constant 2 : i32
      %add3A_251 = arith.addi %add3A_192, %add3A_250 : i32
      %mul3A_252 = arith.constant 400 : i32
      %mul3A_253 = arith.muli %add3A_251, %mul3A_252 : i32
      %add3A_254 = arith.addi %mul3A_2, %mul3A_253 : i32
      %dma_wait3A_255 = tpu.memref_slice %arg2[%add3A_254] : memref<320000xi32, #tpu.memory_space<hbm>> -> memref<400xi32, #tpu.memory_space<hbm>>
      %dma_wait3A_256 = tpu.memref_slice %arg2[%add3A_254] : memref<320000xi32, #tpu.memory_space<hbm>> -> memref<400xi32, #tpu.memory_space<hbm>>
      tpu.wait_dma2 semaphore(%arg15 : memref<!tpu.dma_semaphore, #tpu.memory_space<semaphore_mem>>) src(%dma_wait3A_256 : memref<400xi32, #tpu.memory_space<hbm>>) dst(%arg6 : memref<400xi32, #tpu.memory_space<vmem>>)
      %dma_wait3A_257 = tpu.memref_slice %arg3[%add3A_254] : memref<320000xi32, #tpu.memory_space<hbm>> -> memref<400xi32, #tpu.memory_space<hbm>>
      %dma_wait3A_258 = tpu.memref_slice %arg3[%add3A_254] : memref<320000xi32, #tpu.memory_space<hbm>> -> memref<400xi32, #tpu.memory_space<hbm>>
      tpu.wait_dma2 semaphore(%arg15 : memref<!tpu.dma_semaphore, #tpu.memory_space<semaphore_mem>>) src(%dma_wait3A_258 : memref<400xi32, #tpu.memory_space<hbm>>) dst(%arg8 : memref<400xi32, #tpu.memory_space<vmem>>)
      %scan3A_259 = arith.constant 0 : i32
      %scan3A_260 = arith.constant 0 : i32
      %scan3A_261 = arith.constant 25 : i32
      %scan3A_262 = arith.addi %scan3A_260, %scan3A_261 : i32
      %scan3A_263 = arith.constant 1 : i32
      scf.for %scan3A_286 = %scan3A_260 to %scan3A_262 step %scan3A_263  : i32 {
        %mul3A_287 = arith.constant 16 : i32
        %mul3A_288 = arith.muli %scan3A_286, %mul3A_287 : i32
        %get3A = arith.index_cast %mul3A_288 : i32 to index
        %get3A_289 = tpu.vector_load %arg6[%get3A] {strides = array<i32>} : memref<400xi32, #tpu.memory_space<vmem>>, vector<16xi32>,
        %get3A_290 = vector.shape_cast %get3A_289 : vector<16xi32> to vector<16xi32>
        %mul3A_291 = arith.constant 16 : i32
        %mul3A_292 = arith.muli %scan3A_286, %mul3A_291 : i32
        %get3A_293 = arith.index_cast %mul3A_292 : i32 to index
        %get3A_294 = tpu.vector_load %arg8[%get3A_293] {strides = array<i32>} : memref<400xi32, #tpu.memory_space<vmem>>, vector<16xi32>,
        %get3A_295 = vector.shape_cast %get3A_294 : vector<16xi32> to vector<16xi32>
        %sub3A_296 = arith.subi %get3A_290, %get3A_295 : vector<16xi32>
        %abs3A = math.absi %sub3A_296 : vector<16xi32>
        %sub3A_297 = arith.constant 1 : i32
        %sub3A_298 = vector.broadcast %sub3A_297 : i32 to vector<16xi32>
        %sub3A_299 = arith.subi %abs3A, %sub3A_298 : vector<16xi32>
        %mul3A_300 = arith.muli %get3A_290, %get3A_295 : vector<16xi32>
        %mul3A_301 = arith.muli %sub3A_299, %sub3A_299 : vector<16xi32>
        %shift_right_arithmetic3A = arith.constant 2 : i32
        %shift_right_arithmetic3A_302 = vector.broadcast %shift_right_arithmetic3A : i32 to vector<16xi32>
        %shift_right_arithmetic3A_303 = arith.shrsi %mul3A_301, %shift_right_arithmetic3A_302 : vector<16xi32>
        %add3A_304 = arith.addi %mul3A_300, %shift_right_arithmetic3A_303 : vector<16xi32>
        %mul3A_305 = arith.constant 16 : i32
        %mul3A_306 = arith.muli %scan3A_286, %mul3A_305 : i32
        %swap3A = arith.index_cast %mul3A_306 : i32 to index
        %swap3A_307 = tpu.vector_load %arg10[%swap3A] {strides = array<i32>} : memref<400xi32, #tpu.memory_space<vmem>>, vector<16xi32>,
        %swap3A_308 = vector.shape_cast %swap3A_307 : vector<16xi32> to vector<16xi32>
        %swap3A_309 = vector.shape_cast %add3A_304 : vector<16xi32> to vector<16xi32>
        tpu.vector_store %arg10[%swap3A], %swap3A_309 {strides = array<i32>} : memref<400xi32, #tpu.memory_space<vmem>>, vector<16xi32>,
      }
      %scan3A_264 = arith.constant 25 : i32
      %add3A_265 = arith.constant 4 : i32
      %add3A_266 = arith.addi %add3A_192, %add3A_265 : i32
      %mul3A_267 = arith.constant 400 : i32
      %mul3A_268 = arith.muli %add3A_266, %mul3A_267 : i32
      %add3A_269 = arith.addi %mul3A_2, %mul3A_268 : i32
      %dma_start3A_270 = tpu.memref_slice %arg2[%add3A_269] : memref<320000xi32, #tpu.memory_space<hbm>> -> memref<400xi32, #tpu.memory_space<hbm>>
      %dma_start3A_271 = tpu.memref_slice %arg2[%add3A_269] : memref<320000xi32, #tpu.memory_space<hbm>> -> memref<400xi32, #tpu.memory_space<hbm>>
      tpu.enqueue_dma source(%dma_start3A_271 : memref<400xi32, #tpu.memory_space<hbm>>) target(%arg6 : memref<400xi32, #tpu.memory_space<vmem>>) target_semaphore(%arg15 : memref<!tpu.dma_semaphore, #tpu.memory_space<semaphore_mem>>)
      %dma_start3A_272 = tpu.memref_slice %arg3[%add3A_269] : memref<320000xi32, #tpu.memory_space<hbm>> -> memref<400xi32, #tpu.memory_space<hbm>>
      %dma_start3A_273 = tpu.memref_slice %arg3[%add3A_269] : memref<320000xi32, #tpu.memory_space<hbm>> -> memref<400xi32, #tpu.memory_space<hbm>>
      tpu.enqueue_dma source(%dma_start3A_273 : memref<400xi32, #tpu.memory_space<hbm>>) target(%arg8 : memref<400xi32, #tpu.memory_space<vmem>>) target_semaphore(%arg15 : memref<!tpu.dma_semaphore, #tpu.memory_space<semaphore_mem>>)
      %dma_wait3A_274 = arith.constant 0 : i32
      %dma_wait3A_275 = arith.constant 0 : i32
      %dma_wait3A_276 = tpu.memref_slice %arg14[%dma_wait3A_274, %dma_wait3A_275] : memref<3000x128xf32, #tpu.memory_space<vmem_shared>> -> memref<3000x128xf32, #tpu.memory_space<vmem_shared>>
      tpu.wait_indirect_dma semaphore(%arg18 : memref<!tpu.dma_semaphore, #tpu.memory_space<semaphore_mem>>) src(%dma_wait3A_276 : memref<3000x128xf32, #tpu.memory_space<vmem_shared>>) dst(%arg13 : memref<400x128xf32, #tpu.memory_space<vmem>>)
      %add3A_277 = arith.constant 1 : i32
      %add3A_278 = arith.addi %add3A_192, %add3A_277 : i32
      %mul3A_279 = arith.constant 400 : i32
      %mul3A_280 = arith.muli %add3A_278, %mul3A_279 : i32
      %add3A_281 = arith.addi %mul3A_2, %mul3A_280 : i32
      %dma_start3A_282 = arith.constant 0 : i32
      %dma_start3A_283 = tpu.memref_slice %arg5[%add3A_281, %dma_start3A_282] : memref<320000x128xf32, #tpu.memory_space<hbm>> -> memref<400x128xf32, #tpu.memory_space<hbm>>
      %dma_start3A_284 = arith.constant 0 : i32
      %dma_start3A_285 = tpu.memref_slice %arg5[%add3A_281, %dma_start3A_284] : memref<320000x128xf32, #tpu.memory_space<hbm>> -> memref<400x128xf32, #tpu.memory_space<hbm>>
      tpu.enqueue_dma source(%arg13 : memref<400x128xf32, #tpu.memory_space<vmem>>) target(%dma_start3A_285 : memref<400x128xf32, #tpu.memory_space<hbm>>) target_semaphore(%arg20 : memref<!tpu.dma_semaphore, #tpu.memory_space<semaphore_mem>>)
    }
    %scan3A_97 = arith.constant 10 : i32
    %add3A_98 = arith.constant 8000 : i32
    %add3A_99 = arith.addi %mul3A_2, %add3A_98 : i32
    %dma_wait3A_100 = arith.constant 0 : i32
    %dma_wait3A_101 = tpu.memref_slice %arg5[%add3A_99, %dma_wait3A_100] : memref<320000x128xf32, #tpu.memory_space<hbm>> -> memref<400x128xf32, #tpu.memory_space<hbm>>
    %dma_wait3A_102 = arith.constant 0 : i32
    %dma_wait3A_103 = tpu.memref_slice %arg5[%add3A_99, %dma_wait3A_102] : memref<320000x128xf32, #tpu.memory_space<hbm>> -> memref<400x128xf32, #tpu.memory_space<hbm>>
    tpu.wait_dma2 semaphore(%arg19 : memref<!tpu.dma_semaphore, #tpu.memory_space<semaphore_mem>>) src(%arg12 : memref<400x128xf32, #tpu.memory_space<vmem>>) dst(%dma_wait3A_103 : memref<400x128xf32, #tpu.memory_space<hbm>>)
    %dma_start3A_104 = arith.constant 0 : i32
    %dma_start3A_105 = arith.constant 0 : i32
    %dma_start3A_106 = tpu.memref_slice %arg14[%dma_start3A_104, %dma_start3A_105] : memref<3000x128xf32, #tpu.memory_space<vmem_shared>> -> memref<3000x128xf32, #tpu.memory_space<vmem_shared>>
    tpu.enqueue_indirect_dma source(%dma_start3A_106 : memref<3000x128xf32, #tpu.memory_space<vmem_shared>>) target(%arg12 : memref<400x128xf32, #tpu.memory_space<vmem>>) offsets(%arg10 : memref<400xi32, #tpu.memory_space<vmem>>) semaphore(%arg17 : memref<!tpu.dma_semaphore, #tpu.memory_space<semaphore_mem>>)
    %add3A_107 = arith.constant 9200 : i32
    %add3A_108 = arith.addi %mul3A_2, %add3A_107 : i32
    %dma_wait3A_109 = tpu.memref_slice %arg2[%add3A_108] : memref<320000xi32, #tpu.memory_space<hbm>> -> memref<400xi32, #tpu.memory_space<hbm>>
    %dma_wait3A_110 = tpu.memref_slice %arg2[%add3A_108] : memref<320000xi32, #tpu.memory_space<hbm>> -> memref<400xi32, #tpu.memory_space<hbm>>
    tpu.wait_dma2 semaphore(%arg16 : memref<!tpu.dma_semaphore, #tpu.memory_space<semaphore_mem>>) src(%dma_wait3A_110 : memref<400xi32, #tpu.memory_space<hbm>>) dst(%arg7 : memref<400xi32, #tpu.memory_space<vmem>>)
    %dma_wait3A_111 = tpu.memref_slice %arg3[%add3A_108] : memref<320000xi32, #tpu.memory_space<hbm>> -> memref<400xi32, #tpu.memory_space<hbm>>
    %dma_wait3A_112 = tpu.memref_slice %arg3[%add3A_108] : memref<320000xi32, #tpu.memory_space<hbm>> -> memref<400xi32, #tpu.memory_space<hbm>>
    tpu.wait_dma2 semaphore(%arg16 : memref<!tpu.dma_semaphore, #tpu.memory_space<semaphore_mem>>) src(%dma_wait3A_112 : memref<400xi32, #tpu.memory_space<hbm>>) dst(%arg9 : memref<400xi32, #tpu.memory_space<vmem>>)
    %scan3A_113 = arith.constant 0 : i32
    %scan3A_114 = arith.constant 0 : i32
    %scan3A_115 = arith.constant 25 : i32
    %scan3A_116 = arith.addi %scan3A_114, %scan3A_115 : i32
    %scan3A_117 = arith.constant 1 : i32
    scf.for %scan3A_188 = %scan3A_114 to %scan3A_116 step %scan3A_117  : i32 {
      %mul3A_189 = arith.constant 16 : i32
      %mul3A_190 = arith.muli %scan3A_188, %mul3A_189 : i32
      %get3A = arith.index_cast %mul3A_190 : i32 to index
      %get3A_191 = tpu.vector_load %arg7[%get3A] {strides = array<i32>} : memref<400xi32, #tpu.memory_space<vmem>>, vector<16xi32>,
      %get3A_192 = vector.shape_cast %get3A_191 : vector<16xi32> to vector<16xi32>
      %mul3A_193 = arith.constant 16 : i32
      %mul3A_194 = arith.muli %scan3A_188, %mul3A_193 : i32
      %get3A_195 = arith.index_cast %mul3A_194 : i32 to index
      %get3A_196 = tpu.vector_load %arg9[%get3A_195] {strides = array<i32>} : memref<400xi32, #tpu.memory_space<vmem>>, vector<16xi32>,
      %get3A_197 = vector.shape_cast %get3A_196 : vector<16xi32> to vector<16xi32>
      %sub3A = arith.subi %get3A_192, %get3A_197 : vector<16xi32>
      %abs3A = math.absi %sub3A : vector<16xi32>
      %sub3A_198 = arith.constant 1 : i32
      %sub3A_199 = vector.broadcast %sub3A_198 : i32 to vector<16xi32>
      %sub3A_200 = arith.subi %abs3A, %sub3A_199 : vector<16xi32>
      %mul3A_201 = arith.muli %get3A_192, %get3A_197 : vector<16xi32>
      %mul3A_202 = arith.muli %sub3A_200, %sub3A_200 : vector<16xi32>
      %shift_right_arithmetic3A = arith.constant 2 : i32
      %shift_right_arithmetic3A_203 = vector.broadcast %shift_right_arithmetic3A : i32 to vector<16xi32>
      %shift_right_arithmetic3A_204 = arith.shrsi %mul3A_202, %shift_right_arithmetic3A_203 : vector<16xi32>
      %add3A_205 = arith.addi %mul3A_201, %shift_right_arithmetic3A_204 : vector<16xi32>
      %mul3A_206 = arith.constant 16 : i32
      %mul3A_207 = arith.muli %scan3A_188, %mul3A_206 : i32
      %swap3A = arith.index_cast %mul3A_207 : i32 to index
      %swap3A_208 = tpu.vector_load %arg11[%swap3A] {strides = array<i32>} : memref<400xi32, #tpu.memory_space<vmem>>, vector<16xi32>,
      %swap3A_209 = vector.shape_cast %swap3A_208 : vector<16xi32> to vector<16xi32>
      %swap3A_210 = vector.shape_cast %add3A_205 : vector<16xi32> to vector<16xi32>
      tpu.vector_store %arg11[%swap3A], %swap3A_210 {strides = array<i32>} : memref<400xi32, #tpu.memory_space<vmem>>, vector<16xi32>,
    }
    %scan3A_118 = arith.constant 25 : i32
    %dma_wait3A_119 = arith.constant 0 : i32
    %dma_wait3A_120 = arith.constant 0 : i32
    %dma_wait3A_121 = tpu.memref_slice %arg14[%dma_wait3A_119, %dma_wait3A_120] : memref<3000x128xf32, #tpu.memory_space<vmem_shared>> -> memref<3000x128xf32, #tpu.memory_space<vmem_shared>>
    tpu.wait_indirect_dma semaphore(%arg17 : memref<!tpu.dma_semaphore, #tpu.memory_space<semaphore_mem>>) src(%dma_wait3A_121 : memref<3000x128xf32, #tpu.memory_space<vmem_shared>>) dst(%arg12 : memref<400x128xf32, #tpu.memory_space<vmem>>)
    %add3A_122 = arith.constant 8800 : i32
    %add3A_123 = arith.addi %mul3A_2, %add3A_122 : i32
    %dma_start3A_124 = arith.constant 0 : i32
    %dma_start3A_125 = tpu.memref_slice %arg5[%add3A_123, %dma_start3A_124] : memref<320000x128xf32, #tpu.memory_space<hbm>> -> memref<400x128xf32, #tpu.memory_space<hbm>>
    %dma_start3A_126 = arith.constant 0 : i32
    %dma_start3A_127 = tpu.memref_slice %arg5[%add3A_123, %dma_start3A_126] : memref<320000x128xf32, #tpu.memory_space<hbm>> -> memref<400x128xf32, #tpu.memory_space<hbm>>
    tpu.enqueue_dma source(%arg12 : memref<400x128xf32, #tpu.memory_space<vmem>>) target(%dma_start3A_127 : memref<400x128xf32, #tpu.memory_space<hbm>>) target_semaphore(%arg19 : memref<!tpu.dma_semaphore, #tpu.memory_space<semaphore_mem>>)
    %add3A_128 = arith.constant 8400 : i32
    %add3A_129 = arith.addi %mul3A_2, %add3A_128 : i32
    %dma_wait3A_130 = arith.constant 0 : i32
    %dma_wait3A_131 = tpu.memref_slice %arg5[%add3A_129, %dma_wait3A_130] : memref<320000x128xf32, #tpu.memory_space<hbm>> -> memref<400x128xf32, #tpu.memory_space<hbm>>
    %dma_wait3A_132 = arith.constant 0 : i32
    %dma_wait3A_133 = tpu.memref_slice %arg5[%add3A_129, %dma_wait3A_132] : memref<320000x128xf32, #tpu.memory_space<hbm>> -> memref<400x128xf32, #tpu.memory_space<hbm>>
    tpu.wait_dma2 semaphore(%arg20 : memref<!tpu.dma_semaphore, #tpu.memory_space<semaphore_mem>>) src(%arg13 : memref<400x128xf32, #tpu.memory_space<vmem>>) dst(%dma_wait3A_133 : memref<400x128xf32, #tpu.memory_space<hbm>>)
    %dma_start3A_134 = arith.constant 0 : i32
    %dma_start3A_135 = arith.constant 0 : i32
    %dma_start3A_136 = tpu.memref_slice %arg14[%dma_start3A_134, %dma_start3A_135] : memref<3000x128xf32, #tpu.memory_space<vmem_shared>> -> memref<3000x128xf32, #tpu.memory_space<vmem_shared>>
    tpu.enqueue_indirect_dma source(%dma_start3A_136 : memref<3000x128xf32, #tpu.memory_space<vmem_shared>>) target(%arg13 : memref<400x128xf32, #tpu.memory_space<vmem>>) offsets(%arg11 : memref<400xi32, #tpu.memory_space<vmem>>) semaphore(%arg18 : memref<!tpu.dma_semaphore, #tpu.memory_space<semaphore_mem>>)
    %add3A_137 = arith.constant 9600 : i32
    %add3A_138 = arith.addi %mul3A_2, %add3A_137 : i32
    %dma_wait3A_139 = tpu.memref_slice %arg2[%add3A_138] : memref<320000xi32, #tpu.memory_space<hbm>> -> memref<400xi32, #tpu.memory_space<hbm>>
    %dma_wait3A_140 = tpu.memref_slice %arg2[%add3A_138] : memref<320000xi32, #tpu.memory_space<hbm>> -> memref<400xi32, #tpu.memory_space<hbm>>
    tpu.wait_dma2 semaphore(%arg15 : memref<!tpu.dma_semaphore, #tpu.memory_space<semaphore_mem>>) src(%dma_wait3A_140 : memref<400xi32, #tpu.memory_space<hbm>>) dst(%arg6 : memref<400xi32, #tpu.memory_space<vmem>>)
    %dma_wait3A_141 = tpu.memref_slice %arg3[%add3A_138] : memref<320000xi32, #tpu.memory_space<hbm>> -> memref<400xi32, #tpu.memory_space<hbm>>
    %dma_wait3A_142 = tpu.memref_slice %arg3[%add3A_138] : memref<320000xi32, #tpu.memory_space<hbm>> -> memref<400xi32, #tpu.memory_space<hbm>>
    tpu.wait_dma2 semaphore(%arg15 : memref<!tpu.dma_semaphore, #tpu.memory_space<semaphore_mem>>) src(%dma_wait3A_142 : memref<400xi32, #tpu.memory_space<hbm>>) dst(%arg8 : memref<400xi32, #tpu.memory_space<vmem>>)
    %scan3A_143 = arith.constant 0 : i32
    %scan3A_144 = arith.constant 0 : i32
    %scan3A_145 = arith.constant 25 : i32
    %scan3A_146 = arith.addi %scan3A_144, %scan3A_145 : i32
    %scan3A_147 = arith.constant 1 : i32
    scf.for %scan3A_188 = %scan3A_144 to %scan3A_146 step %scan3A_147  : i32 {
      %mul3A_189 = arith.constant 16 : i32
      %mul3A_190 = arith.muli %scan3A_188, %mul3A_189 : i32
      %get3A = arith.index_cast %mul3A_190 : i32 to index
      %get3A_191 = tpu.vector_load %arg6[%get3A] {strides = array<i32>} : memref<400xi32, #tpu.memory_space<vmem>>, vector<16xi32>,
      %get3A_192 = vector.shape_cast %get3A_191 : vector<16xi32> to vector<16xi32>
      %mul3A_193 = arith.constant 16 : i32
      %mul3A_194 = arith.muli %scan3A_188, %mul3A_193 : i32
      %get3A_195 = arith.index_cast %mul3A_194 : i32 to index
      %get3A_196 = tpu.vector_load %arg8[%get3A_195] {strides = array<i32>} : memref<400xi32, #tpu.memory_space<vmem>>, vector<16xi32>,
      %get3A_197 = vector.shape_cast %get3A_196 : vector<16xi32> to vector<16xi32>
      %sub3A = arith.subi %get3A_192, %get3A_197 : vector<16xi32>
      %abs3A = math.absi %sub3A : vector<16xi32>
      %sub3A_198 = arith.constant 1 : i32
      %sub3A_199 = vector.broadcast %sub3A_198 : i32 to vector<16xi32>
      %sub3A_200 = arith.subi %abs3A, %sub3A_199 : vector<16xi32>
      %mul3A_201 = arith.muli %get3A_192, %get3A_197 : vector<16xi32>
      %mul3A_202 = arith.muli %sub3A_200, %sub3A_200 : vector<16xi32>
      %shift_right_arithmetic3A = arith.constant 2 : i32
      %shift_right_arithmetic3A_203 = vector.broadcast %shift_right_arithmetic3A : i32 to vector<16xi32>
      %shift_right_arithmetic3A_204 = arith.shrsi %mul3A_202, %shift_right_arithmetic3A_203 : vector<16xi32>
      %add3A_205 = arith.addi %mul3A_201, %shift_right_arithmetic3A_204 : vector<16xi32>
      %mul3A_206 = arith.constant 16 : i32
      %mul3A_207 = arith.muli %scan3A_188, %mul3A_206 : i32
      %swap3A = arith.index_cast %mul3A_207 : i32 to index
      %swap3A_208 = tpu.vector_load %arg10[%swap3A] {strides = array<i32>} : memref<400xi32, #tpu.memory_space<vmem>>, vector<16xi32>,
      %swap3A_209 = vector.shape_cast %swap3A_208 : vector<16xi32> to vector<16xi32>
      %swap3A_210 = vector.shape_cast %add3A_205 : vector<16xi32> to vector<16xi32>
      tpu.vector_store %arg10[%swap3A], %swap3A_210 {strides = array<i32>} : memref<400xi32, #tpu.memory_space<vmem>>, vector<16xi32>,
    }
    %scan3A_148 = arith.constant 25 : i32
    %dma_wait3A_149 = arith.constant 0 : i32
    %dma_wait3A_150 = arith.constant 0 : i32
    %dma_wait3A_151 = tpu.memref_slice %arg14[%dma_wait3A_149, %dma_wait3A_150] : memref<3000x128xf32, #tpu.memory_space<vmem_shared>> -> memref<3000x128xf32, #tpu.memory_space<vmem_shared>>
    tpu.wait_indirect_dma semaphore(%arg18 : memref<!tpu.dma_semaphore, #tpu.memory_space<semaphore_mem>>) src(%dma_wait3A_151 : memref<3000x128xf32, #tpu.memory_space<vmem_shared>>) dst(%arg13 : memref<400x128xf32, #tpu.memory_space<vmem>>)
    %add3A_152 = arith.constant 9200 : i32
    %add3A_153 = arith.addi %mul3A_2, %add3A_152 : i32
    %dma_start3A_154 = arith.constant 0 : i32
    %dma_start3A_155 = tpu.memref_slice %arg5[%add3A_153, %dma_start3A_154] : memref<320000x128xf32, #tpu.memory_space<hbm>> -> memref<400x128xf32, #tpu.memory_space<hbm>>
    %dma_start3A_156 = arith.constant 0 : i32
    %dma_start3A_157 = tpu.memref_slice %arg5[%add3A_153, %dma_start3A_156] : memref<320000x128xf32, #tpu.memory_space<hbm>> -> memref<400x128xf32, #tpu.memory_space<hbm>>
    tpu.enqueue_dma source(%arg13 : memref<400x128xf32, #tpu.memory_space<vmem>>) target(%dma_start3A_157 : memref<400x128xf32, #tpu.memory_space<hbm>>) target_semaphore(%arg20 : memref<!tpu.dma_semaphore, #tpu.memory_space<semaphore_mem>>)
    %add3A_158 = arith.constant 8800 : i32
    %add3A_159 = arith.addi %mul3A_2, %add3A_158 : i32
    %dma_wait3A_160 = arith.constant 0 : i32
    %dma_wait3A_161 = tpu.memref_slice %arg5[%add3A_159, %dma_wait3A_160] : memref<320000x128xf32, #tpu.memory_space<hbm>> -> memref<400x128xf32, #tpu.memory_space<hbm>>
    %dma_wait3A_162 = arith.constant 0 : i32
    %dma_wait3A_163 = tpu.memref_slice %arg5[%add3A_159, %dma_wait3A_162] : memref<320000x128xf32, #tpu.memory_space<hbm>> -> memref<400x128xf32, #tpu.memory_space<hbm>>
    tpu.wait_dma2 semaphore(%arg19 : memref<!tpu.dma_semaphore, #tpu.memory_space<semaphore_mem>>) src(%arg12 : memref<400x128xf32, #tpu.memory_space<vmem>>) dst(%dma_wait3A_163 : memref<400x128xf32, #tpu.memory_space<hbm>>)
    %dma_start3A_164 = arith.constant 0 : i32
    %dma_start3A_165 = arith.constant 0 : i32
    %dma_start3A_166 = tpu.memref_slice %arg14[%dma_start3A_164, %dma_start3A_165] : memref<3000x128xf32, #tpu.memory_space<vmem_shared>> -> memref<3000x128xf32, #tpu.memory_space<vmem_shared>>
    tpu.enqueue_indirect_dma source(%dma_start3A_166 : memref<3000x128xf32, #tpu.memory_space<vmem_shared>>) target(%arg12 : memref<400x128xf32, #tpu.memory_space<vmem>>) offsets(%arg10 : memref<400xi32, #tpu.memory_space<vmem>>) semaphore(%arg17 : memref<!tpu.dma_semaphore, #tpu.memory_space<semaphore_mem>>)
    %dma_wait3A_167 = arith.constant 0 : i32
    %dma_wait3A_168 = arith.constant 0 : i32
    %dma_wait3A_169 = tpu.memref_slice %arg14[%dma_wait3A_167, %dma_wait3A_168] : memref<3000x128xf32, #tpu.memory_space<vmem_shared>> -> memref<3000x128xf32, #tpu.memory_space<vmem_shared>>
    tpu.wait_indirect_dma semaphore(%arg17 : memref<!tpu.dma_semaphore, #tpu.memory_space<semaphore_mem>>) src(%dma_wait3A_169 : memref<3000x128xf32, #tpu.memory_space<vmem_shared>>) dst(%arg12 : memref<400x128xf32, #tpu.memory_space<vmem>>)
    %add3A_170 = arith.constant 9600 : i32
    %add3A_171 = arith.addi %mul3A_2, %add3A_170 : i32
    %dma_start3A_172 = arith.constant 0 : i32
    %dma_start3A_173 = tpu.memref_slice %arg5[%add3A_171, %dma_start3A_172] : memref<320000x128xf32, #tpu.memory_space<hbm>> -> memref<400x128xf32, #tpu.memory_space<hbm>>
    %dma_start3A_174 = arith.constant 0 : i32
    %dma_start3A_175 = tpu.memref_slice %arg5[%add3A_171, %dma_start3A_174] : memref<320000x128xf32, #tpu.memory_space<hbm>> -> memref<400x128xf32, #tpu.memory_space<hbm>>
    tpu.enqueue_dma source(%arg12 : memref<400x128xf32, #tpu.memory_space<vmem>>) target(%dma_start3A_175 : memref<400x128xf32, #tpu.memory_space<hbm>>) target_semaphore(%arg19 : memref<!tpu.dma_semaphore, #tpu.memory_space<semaphore_mem>>)
    %add3A_176 = arith.constant 9200 : i32
    %add3A_177 = arith.addi %mul3A_2, %add3A_176 : i32
    %dma_wait3A_178 = arith.constant 0 : i32
    %dma_wait3A_179 = tpu.memref_slice %arg5[%add3A_177, %dma_wait3A_178] : memref<320000x128xf32, #tpu.memory_space<hbm>> -> memref<400x128xf32, #tpu.memory_space<hbm>>
    %dma_wait3A_180 = arith.constant 0 : i32
    %dma_wait3A_181 = tpu.memref_slice %arg5[%add3A_177, %dma_wait3A_180] : memref<320000x128xf32, #tpu.memory_space<hbm>> -> memref<400x128xf32, #tpu.memory_space<hbm>>
    tpu.wait_dma2 semaphore(%arg20 : memref<!tpu.dma_semaphore, #tpu.memory_space<semaphore_mem>>) src(%arg13 : memref<400x128xf32, #tpu.memory_space<vmem>>) dst(%dma_wait3A_181 : memref<400x128xf32, #tpu.memory_space<hbm>>)
    %add3A_182 = arith.constant 9600 : i32
    %add3A_183 = arith.addi %mul3A_2, %add3A_182 : i32
    %dma_wait3A_184 = arith.constant 0 : i32
    %dma_wait3A_185 = tpu.memref_slice %arg5[%add3A_183, %dma_wait3A_184] : memref<320000x128xf32, #tpu.memory_space<hbm>> -> memref<400x128xf32, #tpu.memory_space<hbm>>
    %dma_wait3A_186 = arith.constant 0 : i32
    %dma_wait3A_187 = tpu.memref_slice %arg5[%add3A_183, %dma_wait3A_186] : memref<320000x128xf32, #tpu.memory_space<hbm>> -> memref<400x128xf32, #tpu.memory_space<hbm>>
    tpu.wait_dma2 semaphore(%arg19 : memref<!tpu.dma_semaphore, #tpu.memory_space<semaphore_mem>>) src(%arg12 : memref<400x128xf32, #tpu.memory_space<vmem>>) dst(%dma_wait3A_187 : memref<400x128xf32, #tpu.memory_space<hbm>>)
    return
  }
}

</mosaic_0001>

<sc_bundles>
// kernel: _run.3.cloned.1.call-start
scs
__scs_entry_jumppad:
0x0: {  	(pc) =	sbr.rel $0x88, $3  }
0x1: {  	(tag) =	ssettag $0x0;
	lr =	simm.s32 $0x1  }
0x2: {  	[smem:$0x3F9E] =	sst lr;
	_ =	strace $0xD0000000  }
0x3: {  	_ = 	snop  }
0x4: {  	_ = 	snop  }
0x5: {  	_ = 	snop  }
0x6: {  	_ = 	snop  }
0x7: {  	_ = 	snop  }
__scs_overlays_trampoline_lowered:
0x8: {  	[smem:$0x3FAD] =	sst s0  }
0x9: {  	[smem:$0x3FAE] =	sst s1  }
0xa: {  	[smem:$0x3FAF] =	sst s2  }
0xb: {  	[smem:$0x3FB0] =	sst s3  }
0xc: {  	[smem:$0x3FB1] =	sst s4  }
0xd: {  	[smem:$0x3FB2] =	sst s5  }
0xe: {  	[smem:$0x3FB3] =	sst s6  }
0xf: {  	[smem:$0x3FB4] =	sst s7  }
0x10: {  	[smem:$0x3FB5] =	sst s8  }
0x11: {  	[smem:$0x3FB6] =	sst s9;
	s0 =	simm.s32 @!p0 $0x0  }
0x12: {  	s1 =	sld [smem:$0x3F9C];
	s0 =	simm.s32 @p0 $0x1  }
0x13: {  	[smem:$0x3FB7] =	sst s0;
	s0 =	simm.s32 @!p1 $0x0  }
0x14: {  	s2 =	sld [smem:$0x3F9B];
	s0 =	simm.s32 @p1 $0x1  }
0x15: {  	[smem:$0x3FB8] =	sst s0;
	s0 =	simm.s32 @!p2 $0x0  }
0x16: {  	s3 =	sld [smem:$0x3FDB];
	s0 =	simm.s32 @p2 $0x1  }
0x17: {  	s4 =	simm.s32 $0x1BF5;
	[smem:$0x3FBA] =	sst s0  }
0x18: {  	s0 =	sld [smem:$0x3F9D];
	_ =	swait.ge [sflag:s4], $0x0  }
0x19: {  	s7 =	sld [smem:$0x3F9E]  }
0x1a: {  	s8 =	sadd.s32 $0xFFFFE003, lr  }
0x1b: {  	s9 =	sadd.s32 $0xFFFFFEF7, lr;
	s5 =	simm.s32 $0xFFFFFFFF;
	p2 =	slt.u32 s8, $0xFFFFF086  }
0x1c: {  	p1 =	slt.u32 s9, $0xF7A;
	s5 =	simm.s32 @!p2 $0x0  }
0x1d: {  	s5 =	simm.s32 @p1 $0x1;
	p0 =	seq.s32 s7, s2  }
0x1e: {  	s7 =	smul.u32 @!p0 $0xF7A, s2;
	p2 =	seq.s32 @!p0 s5, $0x0  }
0x1f: {  	s9 =	smul.u32 $0xF7A, s1;
	s8 =	simm.s32 @!p0 $0x1BF5;
	p2 =	por !p2, p0  }
0x20: {  	[sflag:s8] =	ssyncset.s32 @!p0 $0xFFFFF086;
	s6 =	sadd.s32 @!p0 s3, s7;
	s7 =	simm.s32 @!p0 $0x108  }
0x21: {  	s3 =	sadd.s32 s3, s9;
	s6 =	sadd.s32 @!p0 $0x88, s6;
	s7 =	simm.s32 @p2 $0x1082  }
0x22: {  	[simem:s7], [sflag:s8] =	dma.local @!p0 [hbm:s6], $0xF7A  }
0x23: {  	s9 =	sor.u32 $0xD0000000, s2;
	s6 =	simm.s32 $0x108;
	_ =	swait.ge @!p0 [sflag:s8], $0x0  }
0x24: {  	s3 =	sadd.s32 $0x88, s3;
	s6 =	simm.s32 @!p1 $0x1082;
	[sflag:s4] =	ssyncset.s32 $0xFFFFF086  }
0x25: {  	[simem:s6], [sflag:s4] =	dma.local [hbm:s3], $0xF7A  }
0x26: {  	[smem:$0x3F9E] =	sst s1;
	(tag) =	ssettag s2;
	_ =	strace s9  }
0x27: {  	s1 =	sld [smem:$0x3FAE]  }
0x28: {  	s2 =	sld [smem:$0x3FAF]  }
0x29: {  	s4 =	sld [smem:$0x3FB1]  }
0x2a: {  	p0 =	seq.s32 s5, $0x0;
	s5 =	sld [smem:$0x3FB2]  }
0x2b: {  	s6 =	sld [smem:$0x3FB3]  }
0x2c: {  	s7 =	sld [smem:$0x3FB4]  }
0x2d: {  	s3 =	simm.s32 $0x108;
	s8 =	sld [smem:$0x3FB5]  }
0x2e: {  	s3 =	simm.s32 @!p0 $0x1082;
	s9 =	sld [smem:$0x3FB6]  }
0x2f: {  	lr =	sadd.s32 s0, s3;
	s0 =	sld [smem:$0x3FAD]  }
0x30: {  	s3 =	sld [smem:$0x3FB0]  }
0x31: {  	[smem:$0x3FB9] =	sst s10  }
0x32: {  	s10 =	sld [smem:$0x3FB7];
	_ =	sdelay $0x3  }
0x33: {  	p0 =	seq.s32 s10, $0x1;
	s10 =	sld [smem:$0x3FB9];
	_ =	sdelay $0x3  }
0x34: {  	[smem:$0x3FB9] =	sst s10  }
0x35: {  	s10 =	sld [smem:$0x3FB8];
	_ =	sdelay $0x3  }
0x36: {  	p1 =	seq.s32 s10, $0x1;
	s10 =	sld [smem:$0x3FB9];
	_ =	sdelay $0x3  }
0x37: {  	[smem:$0x3FB9] =	sst s10  }
0x38: {  	s10 =	sld [smem:$0x3FBA]  }
0x39: {  	_ = 	snop;
	(pc) =	sbr.ind lr, $3  }
0x3a: {  	_ = 	snop  }
0x3b: {  	_ = 	snop  }
0x3c: {  	p2 =	seq.s32 s10, $0x1;
	s10 =	sld [smem:$0x3FB9]  }
0x3d: {  	_ =	shalt  }
0x3e: {  	_ =	shalt  }
0x3f: {  	_ =	shalt  }
0x40: {  	_ =	shalt  }
0x41: {  	_ =	shalt  }
0x42: {  	_ =	shalt  }
0x43: {  	_ =	shalt  }
0x44: {  	_ =	shalt  }
0x45: {  	_ =	shalt  }
0x46: {  	_ =	shalt  }
0x47: {  	_ =	shalt  }
0x48: {  	_ =	shalt  }
0x49: {  	_ =	shalt  }
0x4a: {  	_ =	shalt  }
0x4b: {  	_ =	shalt  }
0x4c: {  	_ =	shalt  }
0x4d: {  	_ =	shalt  }
0x4e: {  	_ =	shalt  }
0x4f: {  	_ =	shalt  }
0x50: {  	_ =	shalt  }
0x51: {  	_ =	shalt  }
0x52: {  	_ =	shalt  }
0x53: {  	_ =	shalt  }
0x54: {  	_ =	shalt  }
0x55: {  	_ =	shalt  }
0x56: {  	_ =	shalt  }
0x57: {  	_ =	shalt  }
0x58: {  	_ =	shalt  }
0x59: {  	_ =	shalt  }
0x5a: {  	_ =	shalt  }
0x5b: {  	_ =	shalt  }
0x5c: {  	_ =	shalt  }
0x5d: {  	_ =	shalt  }
0x5e: {  	_ =	shalt  }
0x5f: {  	_ =	shalt  }
0x60: {  	_ =	shalt  }
0x61: {  	_ =	shalt  }
0x62: {  	_ =	shalt  }
0x63: {  	_ =	shalt  }
0x64: {  	_ =	shalt  }
0x65: {  	_ =	shalt  }
0x66: {  	_ =	shalt  }
0x67: {  	_ =	shalt  }
0x68: {  	_ =	shalt  }
0x69: {  	_ =	shalt  }
0x6a: {  	_ =	shalt  }
0x6b: {  	_ =	shalt  }
0x6c: {  	_ =	shalt  }
0x6d: {  	_ =	shalt  }
0x6e: {  	_ =	shalt  }
0x6f: {  	_ =	shalt  }
0x70: {  	_ =	shalt  }
0x71: {  	_ =	shalt  }
0x72: {  	_ =	shalt  }
0x73: {  	_ =	shalt  }
0x74: {  	_ =	shalt  }
0x75: {  	_ =	shalt  }
0x76: {  	_ =	shalt  }
0x77: {  	_ =	shalt  }
0x78: {  	_ =	shalt  }
0x79: {  	_ =	shalt  }
0x7a: {  	_ =	shalt  }
0x7b: {  	_ =	shalt  }
0x7c: {  	_ =	shalt  }
0x7d: {  	_ =	shalt  }
0x7e: {  	_ =	shalt  }
0x7f: {  	_ =	shalt  }
0x80: {  	_ =	shalt  }
0x81: {  	_ =	shalt  }
0x82: {  	_ =	shalt  }
0x83: {  	_ =	shalt  }
0x84: {  	_ =	shalt  }
0x85: {  	_ =	shalt  }
0x86: {  	_ =	shalt  }
0x87: {  	_ =	shalt  }
.Lfunc_end0:
.L_simem_size_0:
called_computation_lowered:
.L_overlay_start_0:
0x88: {  	s2 =	sld [smem:$0x3FD9]  }
0x89: {  	s3 =	sld [smem:$0x3FFE];
	_ =	sdelay $0x1  }
0x8a: {  	s1 =	srdreg.scid  }
0x8b: {  	s0 =	sand.u32 $0x1, s1  }
0x8c: {  	s18 =	sshll.u32 s0, $0xA;
	s2 =	sadd.s32 s3, s2  }
0x8d: {  	s2 =	sadd.s32 s2, s18  }
0x8e: {  	[smem:$0x3FC5] =	sst s2  }
0x8f: {  	_ = 	snop  }
0x90: {  	s2 =	sld [smem:$0x3FC9]  }
0x91: {  	s19 =	sld [smem:$0x3FC8]  }
0x92: {  	s4 =	sld [smem:$0x3FC7]  }
0x93: {  	s5 =	sld [smem:$0x3FD0];
	(tm) =	ssettm $0x1  }
0x94: {  	s6 =	sld [smem:$0x3FFB];
	_ =	sdelay $0x3  }
0x95: {  	_ =	strace s6  }
0x96: {  	s6 =	sld [smem:$0x3FFC];
	_ =	sdelay $0x3  }
0x97: {  	_ =	strace s6  }
0x98: {  	s6 =	sld [smem:$0x3FFD];
	_ =	sdelay $0x3  }
0x99: {  	_ =	strace s6  }
0x9a: {  	_ =	strace $0x8FFFFFFF  }
0x9b: {  	s20 =	sld [smem:$0x3FDB];
	_ =	sdelay $0x1  }
0x9c: {  	s7 =	simm.s32 $_scs_section_size  }
0x9d: {  	s8 =	simm.s32 $_size__tile_overlayer_lowered;
	s9 =	simm.s32 $_tile_overlayer_lowered  }
0x9e: {  	s23 =	simm.s32 $0x1BFF;
	s22 =	sshll.u32 s9, $0x1;
	s6 =	sadd.s32 s7, s20  }
0x9f: {  	s10 =	simm.s32 $0x0;
	s21 =	sshll.u32 s8, $0x1;
	s8 =	sadd.s32 s22, s6  }
0xa0: {  	[timem:s10], [sflag:s23] =	dma.local [hbm:s8], s21  }
0xa1: {  	_ =	swait.ge [sflag:s23], s21  }
0xa2: {  	s7 =	ssub.s32 $0x0, s21;
	[sflag:s23] =	ssyncset.done $0x0  }
0xa3: {  	[sflag:s23] =	ssyncadd.s32 s7;
	_ =	sdelay $0x1  }
0xa4: {  	s24 =	simm.s32 $0x1B8B  }
0xa5: {  	_ =	swait.ge [sflag:s24], $0x1  }
0xa6: {  	[sflag:s24] =	ssyncset.done $0x0  }
0xa7: {  	s25 =	simm.s32 $0x1B8E;
	[sflag:s24] =	ssyncadd.s32 $0xFFFFFFFF  }
0xa8: {  	s26 =	simm.s32 $execute0_lowered;
	[smem:$0x3FD2] =	sst s25  }
0xa9: {  	s7 =	sshll.u32 s26, $0x1;
	_ =	strace $0x80000046;
	[dreg:$0x1] =	wrdreg $0xFFFFFFFF  }
0xaa: {  	s28 =	simm.s32 $_size_execute0_lowered;
	s6 =	sadd.s32 s6, s7;
	[dreg:$0x0] =	wrdreg $0x0  }
0xab: {  	s7 =	sshll.u32 s28, $0x1;
	[dreg:$0x2] =	wrdreg s6  }
0xac: {  	[dreg:$0x3] =	wrdreg s7  }
0xad: {  	[dreg:$0x4] =	wrdreg $0xC0  }
0xae: {  	_ =	task [dreg:s10], $0x5FFFF  }
0xaf: {  	[dreg:$0x1] =	wrdreg $0xFFFFFFFF  }
0xb0: {  	[dreg:$0x0] =	wrdreg $0x60  }
0xb1: {  	[dreg:$0x2] =	wrdreg s2  }
0xb2: {  	[dreg:$0x3] =	wrdreg s19  }
0xb3: {  	[dreg:$0x4] =	wrdreg s4  }
0xb4: {  	[dreg:$0x5] =	wrdreg s5  }
0xb5: {  	[dreg:$0x6] =	wrdreg $0x19C000  }
0xb6: {  	[dreg:$0x7] =	wrdreg $0x9  }
0xb7: {  	_ =	task.clear_ibuf [dreg:s10], $0x8FFFF;
	_ =	strace $0x90000046  }
0xb8: {  	s29 =	simm.s32 $0x9;
	_ =	strace $0x80000048  }
0xb9: {  	_ =	swait.ge [sflag:s29], $0x1  }
0xba: {  	[sflag:s29] =	ssyncadd.s32 $0xFFFFFFFF  }
0xbb: {  	_ =	strace $0x90000048  }
0xbc: {  	_ =	sfence  }
0xbd: {  	s30 =	sld [smem:$0x0];
	_ =	sdelay $0x2  }
0xbe: {  	s31 =	sshll.u32 s1, $0xD;
	s1 =	sshrl.u32 s1, $0x2  }
0xbf: {  	s3 =	sand.u32 $0x4000, s31;
	s1 =	sadd.s32 s1, s30  }
0xc0: {  	s0 =	sor.u32 s3, s0;
	s1 =	sshll.u32 s1, $0x11  }
0xc1: {  	s0 =	sor.u32 s1, s0  }
0xc2: {  	s0 =	sadd.s32 $0x8F2B, s0  }
0xc3: {  	[sflag:s0] =	ssyncadd.remote.s32 $0x1  }
0xc4: {  	_ =	sfence.sel $0xFFFF  }
0xc5: {  	[dreg:$0x0] =	wrdreg $0xFFFFFFFF;
	(pc) =	sbr.abs _section_cstart, $3  }
0xc6: {  	[dreg:$0x1] =	wrdreg $0xFFFFFFFF  }
0xc7: {  	_ =	task.clear_ibuf [dreg:s10], $0x2FFFF;
	_ =	strace $0x9FFFFFFF  }
0xc8: {  	(tm) =	ssettm $0x7FFFFFFF  }
0xc9: {  	_ =	shalt  }
tec
execute0_lowered:
.L_overlay_start_1:
0x0: {  	(tag) =	ssettag $0x1  }
0x1: {  	s0 =	rddreg [dreg:$0x0]  }
0x2: {  	s1 =	rddreg [dreg:$0x1]  }
0x3: {  	s3 =	rddreg [dreg:$0x3];
	s2 =	srdreg.scid  }
0x4: {  	s4 =	stileid.u32;
	s5 =	rddreg [dreg:$0x4]  }
0x5: {  	s6 =	simm.s32 $0x0;
	s28 =	simm.s32 $0x400;
	s29 =	simm.s32 $0x200  }
0x6: {  	s30 =	simm.s32 $0x600;
	s2 =	sand.u32 $0x1, s2;
	s7 =	sshll.u32 s4, $0x1  }
0x7: {  	s31 =	simm.s32 $0x1;
	[smem:$0x7FF] =	sst s6;
	s7 =	sor.u32 s2, s7  }
0x8: {  	p0 =	sne.s32 s4, $0x0;
	s2 =	ssub.s32 $0x2, s2;
	s9 =	smul.u32 $0x2710, s7  }
0x9: {  	s4 =	simm.s32 $0x190;
	s8 =	sshrl.u32 s2, $0x1;
	s20 =	smul.u32 $0x27100, s7  }
0xa: {  	_ =	strace $0x80000047;
	s7 =	smul.u32 $0x138800, s7;
	s2 =	ssub.s32 s2, s8  }
0xb: {  	s10 =	sshrl.u32 s9, $0x3;
	s11 =	sadd.s32 $0x190, s9;
	s8 =	sadd.s32 $0x320, s9  }
0xc: {  	s21 =	sadd.s32 s3, s20;
	s7 =	sshrl.u32 s7, $0x3;
	s15 =	sadd.s32 s0, s10  }
0xd: {  	s12 =	sshrl.u32 s11, $0x3;
	s13 =	sadd.s32 s1, s10;
	[dreg:$0xe] =	wrdreg s21  }
0xe: {  	s14 =	sshrl.u32 s8, $0x3;
	s10 =	sadd.s32 $0xC8, s10;
	[dreg:$0x6] =	wrdreg s15  }
0xf: {  	s23 =	sshll.u32 s11, $0x4;
	[dreg:$0x7] =	wrdreg s13;
	s16 =	sadd.s32 s0, s12  }
0x10: {  	s21 =	sadd.s32 $0x7D0, s9;
	s12 =	sadd.s32 s1, s12;
	[dreg:$0x8] =	wrdreg s16  }
0x11: {  	s7 =	sadd.s32 s3, s7;
	s17 =	sadd.s32 s0, s14;
	[dreg:$0x9] =	wrdreg s12  }
0x12: {  	s11 =	simm.s32 $0xA00;
	s18 =	sadd.s32 s1, s14;
	[dreg:$0xa] =	wrdreg s17  }
0x13: {  	s13 =	sadd.s32 $0x4B0, s9;
	s22 =	sadd.s32 s0, s10;
	[dreg:$0xb] =	wrdreg s18  }
0x14: {  	s10 =	sadd.s32 s1, s10;
	s24 =	sadd.s32 $0x22600, s7;
	[dreg:$0xf] =	wrdreg s22  }
0x15: {  	s25 =	sadd.s32 $0x23F00, s7;
	s26 =	sadd.s32 $0x25800, s7;
	[dreg:$0x10] =	wrdreg s10  }
0x16: {  	s7 =	simm.s32 $0xC00;
	s14 =	simm.s32 $0x4;
	[dreg:$0x12] =	wrdreg s24  }
0x17: {  	s19 =	sshrl.u32 s13, $0x3;
	s10 =	sadd.s32 s3, s23;
	[dreg:$0x13] =	wrdreg s25  }
0x18: {  	s22 =	sadd.s32 $0x960, s9;
	[dreg:$0x14] =	wrdreg s26;
	s26 =	smax.u32 s2, $0x1  }
0x19: {  	s2 =	simm.s32 $0x800;
	s9 =	simm.s32 $0x2;
	s16 =	simm.s32 $0x6  }
0x1a: {  	s17 =	simm.s32 $0x0;
	s15 =	sadd.s32 s0, s19;
	[dreg:$0x11] =	wrdreg s10  }
0x1b: {  	s12 =	sadd.s32 s1, s19;
	s10 =	simm.s32 $0x3;
	[dreg:$0xc] =	wrdreg s15  }
0x1c: {  	[dreg:$0xd] =	wrdreg s12;
	s12 =	simm.s32 $0xD400;
	s15 =	simm.s32 $0x5  }
.LBB2_1:
0x1d: {  	s18 =	rddreg [dreg:$0x6]  }
0x1e: {  	s23 =	rddreg [dreg:$0x7]  }
0x1f: {  	[tilespmem:s6], [sflag:$0x1] =	stream.linear.gather [hbm4b:s18+s6], $0x190, $0x38;
	[tilespmem:$0x1F9C0] =	vst v63  }
0x20: {  	s24 =	rddreg [dreg:$0x8]  }
0x21: {  	[tilespmem:s28], [sflag:$0x1] =	stream.linear.gather [hbm4b:s23+s6], $0x190, $0x38;
	[tilespmem:$0x1F9C0] =	vst v63  }
0x22: {  	s25 =	rddreg [dreg:$0x9]  }
0x23: {  	[tilespmem:s29], [sflag:$0x2] =	stream.linear.gather [hbm4b:s24+s6], $0x190, $0x38;
	[tilespmem:$0x1F9C0] =	vst v63  }
0x24: {  	s19 =	simm.s32 @!p0 $0x1C07;
	s20 =	rddreg [dreg:$0x2];
	s18 =	sshrl.u32 @!p0 s5, $0x3  }
0x25: {  	[tilespmem:s30], [sflag:$0x2] =	stream.linear.gather [hbm4b:s25+s6], $0x190, $0x38;
	[tilespmem:$0x1F9C0] =	vst v63  }
0x26: {  	[spmem:s18], [sflag:s19] =	dma.local @!p0 [hbm:s20], $0xBB80  }
0x27: {  	s18 =	simm.s32 @!p0 $0x7  }
0x28: {  	_ =	swait.ge @!p0 [sflag:s18], $0xBB80  }
0x29: {  	[sflag:s18] =	ssyncset.done @!p0 $0x0  }
0x2a: {  	[sflag:s18] =	ssyncadd.s32 @!p0 $0xFFFF4480  }
0x2b: {  	[bflag:$0x0] =	sbarrier.arrive $0xFFFF  }
0x2c: {  	_ =	swait.ge [sflag:s31], $0x190  }
0x2d: {  	[sflag:s31] =	ssyncset.done $0x0  }
0x2e: {  	[sflag:s31] =	ssyncadd.s32 $0xFFFFFE70  }
0x2f: {  	_ =	swait.ge [sflag:s31], $0x190  }
0x30: {  	[sflag:s31] =	ssyncset.done $0x0  }
0x31: {  	s18 =	simm.s32 $0x0;
	[sflag:s31] =	ssyncadd.s32 $0xFFFFFE70  }
0x32: {  	v0 =	vld [tilespmem:s18+$0x0]  }
0x33: {  	v3 =	vld [tilespmem:s18+$0x400];
	_ =	sdelay $0x4  }
0x34: {  	v1 =	vsub.s32 v0, v3  }
0x35: {  	s19 =	simm.s32 $0x10;
	v2 =	vsub.s32 $0x0, v1  }
0x36: {  	v2 =	vmin.u32 v1, v2;
	v1 =	vld [tilespmem:s19+$0x0]  }
0x37: {  	v4 =	vadd.s32 $0xFFFFFFFF, v2;
	v2 =	vld [tilespmem:s19+$0x400];
	_ =	sdelay $0x2  }
0x38: {  	s20 =	simm.s32 $0x80;
	v4 =	vmul.u32 v4, v4  }
.LBB2_2:
0x39: {  	s23 =	sshra.s32 s20, $0x2;
	v5 =	vmul.u32 v0, v3;
	v0 =	vmov v1;
	p1 =	sne.s32 s20, $0x600  }
.Ltmp0:
0x3a: {  	s20 =	sadd.s32 $0x40, s20;
	v1 =	vld [tilespmem:s23+$0x0];
	v6 =	vsub.s32 v0, v2;
	v4 =	vshra.s32 v4, $0x2;
	v3 =	vmov v2;
	(pc) =	sbr.rel @p1 .LBB2_2-.Ltmp0, $4  }
0x3b: {  	v2 =	vld [tilespmem:s23+$0x400];
	v7 =	vsub.s32 $0x0, v6;
	v4 =	vadd.s32 v5, v4  }
0x3c: {  	v5 =	vmin.u32 v6, v7;
	[tilespmem:s18+$0x800] =	vst v4;
	s18 =	smov.u32 s19;
	s19 =	smov.u32 s23  }
0x3d: {  	v4 =	vadd.s32 $0xFFFFFFFF, v5  }
0x3e: {  	v4 =	vmul.u32 v4, v4  }
0x3f: {  	_ = 	snop  }
0x40: {  	v5 =	vsub.s32 v1, v2  }
0x41: {  	v6 =	vsub.s32 $0x0, v5  }
0x42: {  	v5 =	vmin.u32 v5, v6  }
0x43: {  	v5 =	vadd.s32 $0xFFFFFFFF, v5  }
0x44: {  	v0 =	vmul.u32 v0, v3;
	v3 =	vmul.u32 v5, v5  }
0x45: {  	v4 =	vshra.s32 v4, $0x2;
	v1 =	vmul.u32 v1, v2  }
0x46: {  	v0 =	vadd.s32 v0, v4;
	v2 =	vshra.s32 v3, $0x2  }
0x47: {  	[tilespmem:s18+$0x800] =	vst v0;
	v0 =	vadd.s32 v1, v2  }
0x48: {  	s23 =	simm.s32 $0x0;
	s24 =	rddreg [dreg:$0xa];
	[tilespmem:s19+$0x800] =	vst v0  }
0x49: {  	[tilespmem:s23], [sflag:$0x1] =	stream.linear.gather [hbm4b:s24+s23], $0x190, $0x38;
	[tilespmem:$0x1F9C0] =	vst v63  }
0x4a: {  	s25 =	rddreg [dreg:$0xb]  }
0x4b: {  	[tilespmem:s28], [sflag:$0x1] =	stream.linear.gather [hbm4b:s25+s23], $0x190, $0x38;
	[tilespmem:$0x1F9C0] =	vst v63  }
0x4c: {  	_ = 	snop  }
0x4d: {  	[tilespmem:s7], [sflag:$0x3] =	stream.indirect.gather [spmem:s5], $0x80, s2, s4, $0xb8;
	[tilespmem:$0x1F9C0] =	vst v63  }
0x4e: {  	_ =	swait.ge [sflag:s9], $0x190  }
0x4f: {  	[sflag:s9] =	ssyncset.done $0x0  }
0x50: {  	[sflag:s9] =	ssyncadd.s32 $0xFFFFFE70  }
0x51: {  	_ =	swait.ge [sflag:s9], $0x190  }
0x52: {  	[sflag:s9] =	ssyncset.done $0x0  }
0x53: {  	s18 =	simm.s32 $0x0;
	[sflag:s9] =	ssyncadd.s32 $0xFFFFFE70  }
0x54: {  	v0 =	vld [tilespmem:s18+$0x200]  }
0x55: {  	v3 =	vld [tilespmem:s18+$0x600];
	_ =	sdelay $0x4  }
0x56: {  	v1 =	vsub.s32 v0, v3  }
0x57: {  	s19 =	simm.s32 $0x10;
	v2 =	vsub.s32 $0x0, v1  }
0x58: {  	v2 =	vmin.u32 v1, v2;
	v1 =	vld [tilespmem:s19+$0x200]  }
0x59: {  	v4 =	vadd.s32 $0xFFFFFFFF, v2;
	v2 =	vld [tilespmem:s19+$0x600];
	_ =	sdelay $0x2  }
0x5a: {  	s20 =	simm.s32 $0x80;
	v4 =	vmul.u32 v4, v4  }
.LBB2_4:
0x5b: {  	s23 =	sshra.s32 s20, $0x2;
	v5 =	vmul.u32 v0, v3;
	v0 =	vmov v1;
	p1 =	sne.s32 s20, $0x600  }
.Ltmp1:
0x5c: {  	s20 =	sadd.s32 $0x40, s20;
	v1 =	vld [tilespmem:s23+$0x200];
	v6 =	vsub.s32 v0, v2;
	v4 =	vshra.s32 v4, $0x2;
	v3 =	vmov v2;
	(pc) =	sbr.rel @p1 .LBB2_4-.Ltmp1, $4  }
0x5d: {  	v2 =	vld [tilespmem:s23+$0x600];
	v7 =	vsub.s32 $0x0, v6;
	v4 =	vadd.s32 v5, v4  }
0x5e: {  	v5 =	vmin.u32 v6, v7;
	[tilespmem:s18+$0xA00] =	vst v4;
	s18 =	smov.u32 s19;
	s19 =	smov.u32 s23  }
0x5f: {  	v4 =	vadd.s32 $0xFFFFFFFF, v5  }
0x60: {  	v4 =	vmul.u32 v4, v4  }
0x61: {  	_ = 	snop  }
0x62: {  	v5 =	vsub.s32 v1, v2  }
0x63: {  	v6 =	vsub.s32 $0x0, v5  }
0x64: {  	v5 =	vmin.u32 v5, v6  }
0x65: {  	v5 =	vadd.s32 $0xFFFFFFFF, v5  }
0x66: {  	v0 =	vmul.u32 v0, v3;
	v3 =	vmul.u32 v5, v5  }
0x67: {  	v4 =	vshra.s32 v4, $0x2;
	v1 =	vmul.u32 v1, v2  }
0x68: {  	v0 =	vadd.s32 v0, v4;
	v2 =	vshra.s32 v3, $0x2  }
0x69: {  	[tilespmem:s18+$0xA00] =	vst v0;
	v0 =	vadd.s32 v1, v2  }
0x6a: {  	s20 =	simm.s32 $0x0;
	s23 =	rddreg [dreg:$0xc];
	[tilespmem:s19+$0xA00] =	vst v0  }
0x6b: {  	[tilespmem:s29], [sflag:$0x2] =	stream.linear.gather [hbm4b:s23+s20], $0x190, $0x38;
	[tilespmem:$0x1F9C0] =	vst v63  }
0x6c: {  	s24 =	rddreg [dreg:$0xd]  }
0x6d: {  	[tilespmem:s30], [sflag:$0x2] =	stream.linear.gather [hbm4b:s24+s20], $0x190, $0x38;
	[tilespmem:$0x1F9C0] =	vst v63  }
0x6e: {  	_ =	swait.ge [sflag:s10], $0xC800  }
0x6f: {  	[sflag:s10] =	ssyncset.done $0x0  }
0x70: {  	s25 =	rddreg [dreg:$0xe];
	[sflag:s10] =	ssyncadd.s32 $0xFFFF3800  }
0x71: {  	[hbm4b:s25+s20] =	stream.linear.scatter [tilespmem:s7], [sflag:$0x5], $0xC800, $0x38;
	[tilespmem:$0x1F9C0] =	vst v63  }
0x72: {  	_ = 	snop  }
0x73: {  	[tilespmem:s12], [sflag:$0x4] =	stream.indirect.gather [spmem:s5], $0x80, s11, s4, $0xb8;
	[tilespmem:$0x1F9C0] =	vst v63  }
0x74: {  	_ =	swait.ge [sflag:s31], $0x190  }
0x75: {  	[sflag:s31] =	ssyncset.done $0x0  }
0x76: {  	[sflag:s31] =	ssyncadd.s32 $0xFFFFFE70  }
0x77: {  	_ =	swait.ge [sflag:s31], $0x190  }
0x78: {  	[sflag:s31] =	ssyncset.done $0x0  }
0x79: {  	s18 =	simm.s32 $0x0;
	[sflag:s31] =	ssyncadd.s32 $0xFFFFFE70  }
0x7a: {  	v0 =	vld [tilespmem:s18+$0x0]  }
0x7b: {  	v3 =	vld [tilespmem:s18+$0x400];
	_ =	sdelay $0x4  }
0x7c: {  	v1 =	vsub.s32 v0, v3  }
0x7d: {  	s19 =	simm.s32 $0x10;
	v2 =	vsub.s32 $0x0, v1  }
0x7e: {  	v2 =	vmin.u32 v1, v2;
	v1 =	vld [tilespmem:s19+$0x0]  }
0x7f: {  	v4 =	vadd.s32 $0xFFFFFFFF, v2;
	v2 =	vld [tilespmem:s19+$0x400];
	_ =	sdelay $0x2  }
0x80: {  	s20 =	simm.s32 $0x80;
	v4 =	vmul.u32 v4, v4  }
.LBB2_6:
0x81: {  	s23 =	sshra.s32 s20, $0x2;
	v5 =	vmul.u32 v0, v3;
	v0 =	vmov v1;
	p1 =	sne.s32 s20, $0x600  }
.Ltmp2:
0x82: {  	s20 =	sadd.s32 $0x40, s20;
	v1 =	vld [tilespmem:s23+$0x0];
	v6 =	vsub.s32 v0, v2;
	v4 =	vshra.s32 v4, $0x2;
	v3 =	vmov v2;
	(pc) =	sbr.rel @p1 .LBB2_6-.Ltmp2, $4  }
0x83: {  	v2 =	vld [tilespmem:s23+$0x400];
	v7 =	vsub.s32 $0x0, v6;
	v4 =	vadd.s32 v5, v4  }
0x84: {  	v5 =	vmin.u32 v6, v7;
	[tilespmem:s18+$0x800] =	vst v4;
	s18 =	smov.u32 s19;
	s19 =	smov.u32 s23  }
0x85: {  	v4 =	vadd.s32 $0xFFFFFFFF, v5  }
0x86: {  	v4 =	vmul.u32 v4, v4  }
0x87: {  	_ = 	snop  }
0x88: {  	v5 =	vsub.s32 v1, v2  }
0x89: {  	v6 =	vsub.s32 $0x0, v5  }
0x8a: {  	v5 =	vmin.u32 v5, v6  }
0x8b: {  	v5 =	vadd.s32 $0xFFFFFFFF, v5  }
0x8c: {  	v0 =	vmul.u32 v0, v3;
	v60 =	vmul.u32 v5, v5  }
0x8d: {  	v4 =	vshra.s32 v4, $0x2;
	v61 =	vmul.u32 v1, v2  }
0x8e: {  	v0 =	vadd.s32 v0, v4;
	v62 =	vshra.s32 v60, $0x2  }
0x8f: {  	[tilespmem:s18+$0x800] =	vst v0;
	v63 =	vadd.s32 v61, v62  }
0x90: {  	s23 =	rddreg [dreg:$0xf];
	s18 =	simm.s32 $0x0;
	[tilespmem:s19+$0x800] =	vst v63  }
0x91: {  	[tilespmem:s18], [sflag:$0x1] =	stream.linear.gather [hbm4b:s23+s18], $0x190, $0x38;
	[tilespmem:$0x1F9C0] =	vst v63  }
0x92: {  	s24 =	rddreg [dreg:$0x10]  }
0x93: {  	[tilespmem:s28], [sflag:$0x1] =	stream.linear.gather [hbm4b:s24+s18], $0x190, $0x38;
	[tilespmem:$0x1F9C0] =	vst v63  }
0x94: {  	_ =	swait.ge [sflag:s14], $0xC800  }
0x95: {  	[sflag:s14] =	ssyncset.done $0x0  }
0x96: {  	s25 =	rddreg [dreg:$0x11];
	[sflag:s14] =	ssyncadd.s32 $0xFFFF3800  }
0x97: {  	[hbm4b:s25+s18] =	stream.linear.scatter [tilespmem:s12], [sflag:$0x6], $0xC800, $0x38;
	[tilespmem:$0x1F9C0] =	vst v63  }
.LBB2_8:
0x98: {  	_ =	swait.ge [sflag:s15], $0xC800  }
0x99: {  	[sflag:s15] =	ssyncset.done $0x0  }
0x9a: {  	[sflag:s15] =	ssyncadd.s32 $0xFFFF3800  }
0x9b: {  	[tilespmem:s7], [sflag:$0x3] =	stream.indirect.gather [spmem:s5], $0x80, s2, s4, $0xb8;
	[tilespmem:$0x1F9C0] =	vst v63  }
0x9c: {  	_ =	swait.ge [sflag:s9], $0x190  }
0x9d: {  	[sflag:s9] =	ssyncset.done $0x0  }
0x9e: {  	[sflag:s9] =	ssyncadd.s32 $0xFFFFFE70  }
0x9f: {  	_ =	swait.ge [sflag:s9], $0x190  }
0xa0: {  	[sflag:s9] =	ssyncset.done $0x0  }
0xa1: {  	s20 =	simm.s32 $0x0;
	[sflag:s9] =	ssyncadd.s32 $0xFFFFFE70  }
0xa2: {  	v0 =	vld [tilespmem:s20+$0x200]  }
0xa3: {  	v3 =	vld [tilespmem:s20+$0x600];
	_ =	sdelay $0x4  }
0xa4: {  	v1 =	vsub.s32 v0, v3  }
0xa5: {  	s23 =	simm.s32 $0x10;
	v2 =	vsub.s32 $0x0, v1  }
0xa6: {  	v2 =	vmin.u32 v1, v2;
	v1 =	vld [tilespmem:s23+$0x200]  }
0xa7: {  	v4 =	vadd.s32 $0xFFFFFFFF, v2;
	v2 =	vld [tilespmem:s23+$0x600];
	_ =	sdelay $0x2  }
0xa8: {  	s19 =	simm.s32 $0x80;
	v4 =	vmul.u32 v4, v4  }
.LBB2_9:
0xa9: {  	s24 =	sshra.s32 s19, $0x2;
	v5 =	vmul.u32 v0, v3;
	v0 =	vmov v1;
	p1 =	sne.s32 s19, $0x600  }
.Ltmp3:
0xaa: {  	s19 =	sadd.s32 $0x40, s19;
	v1 =	vld [tilespmem:s24+$0x200];
	v6 =	vsub.s32 v0, v2;
	v4 =	vshra.s32 v4, $0x2;
	v3 =	vmov v2;
	(pc) =	sbr.rel @p1 .LBB2_9-.Ltmp3, $4  }
0xab: {  	v2 =	vld [tilespmem:s24+$0x600];
	v7 =	vsub.s32 $0x0, v6;
	v4 =	vadd.s32 v5, v4  }
0xac: {  	v5 =	vmin.u32 v6, v7;
	[tilespmem:s20+$0xA00] =	vst v4;
	s20 =	smov.u32 s23;
	s23 =	smov.u32 s24  }
0xad: {  	v4 =	vadd.s32 $0xFFFFFFFF, v5  }
0xae: {  	v4 =	vmul.u32 v4, v4  }
0xaf: {  	_ = 	snop  }
0xb0: {  	v5 =	vsub.s32 v1, v2  }
0xb1: {  	v6 =	vsub.s32 $0x0, v5  }
0xb2: {  	v5 =	vmin.u32 v5, v6  }
0xb3: {  	v5 =	vadd.s32 $0xFFFFFFFF, v5  }
0xb4: {  	v0 =	vmul.u32 v0, v3;
	s19 =	smul.u32 $0x320, s18;
	v3 =	vmul.u32 v5, v5  }
0xb5: {  	v4 =	vshra.s32 v4, $0x2;
	v1 =	vmul.u32 v1, v2  }
0xb6: {  	v0 =	vadd.s32 v0, v4;
	s24 =	sadd.s32 s19, s21;
	v2 =	vshra.s32 v3, $0x2  }
0xb7: {  	[tilespmem:s20+$0xA00] =	vst v0;
	s20 =	sshrl.u32 s24, $0x3;
	v0 =	vadd.s32 v1, v2  }
0xb8: {  	s24 =	simm.s32 $0x0;
	s25 =	sadd.s32 s0, s20;
	[tilespmem:s23+$0xA00] =	vst v0  }
0xb9: {  	[tilespmem:s29], [sflag:$0x2] =	stream.linear.gather [hbm4b:s25+s24], $0x190, $0x38;
	[tilespmem:$0x1F9C0] =	vst v63  }
0xba: {  	s20 =	sadd.s32 s1, s20  }
0xbb: {  	[tilespmem:s30], [sflag:$0x2] =	stream.linear.gather [hbm4b:s20+s24], $0x190, $0x38;
	[tilespmem:$0x1F9C0] =	vst v63  }
0xbc: {  	s25 =	sadd.s32 s19, s8;
	_ =	swait.ge [sflag:s10], $0xC800  }
0xbd: {  	s20 =	sshll.u32 s25, $0x4;
	[sflag:s10] =	ssyncset.done $0x0  }
0xbe: {  	s20 =	sadd.s32 s3, s20;
	[sflag:s10] =	ssyncadd.s32 $0xFFFF3800  }
0xbf: {  	[hbm4b:s20+s24] =	stream.linear.scatter [tilespmem:s7], [sflag:$0x5], $0xC800, $0x38;
	[tilespmem:$0x1F9C0] =	vst v63  }
0xc0: {  	_ =	swait.ge [sflag:s16], $0xC800  }
0xc1: {  	[sflag:s16] =	ssyncset.done $0x0  }
0xc2: {  	[sflag:s16] =	ssyncadd.s32 $0xFFFF3800  }
0xc3: {  	[tilespmem:s12], [sflag:$0x4] =	stream.indirect.gather [spmem:s5], $0x80, s11, s4, $0xb8;
	[tilespmem:$0x1F9C0] =	vst v63  }
0xc4: {  	_ =	swait.ge [sflag:s31], $0x190  }
0xc5: {  	[sflag:s31] =	ssyncset.done $0x0  }
0xc6: {  	[sflag:s31] =	ssyncadd.s32 $0xFFFFFE70  }
0xc7: {  	_ =	swait.ge [sflag:s31], $0x190  }
0xc8: {  	[sflag:s31] =	ssyncset.done $0x0  }
0xc9: {  	s20 =	simm.s32 $0x0;
	[sflag:s31] =	ssyncadd.s32 $0xFFFFFE70  }
0xca: {  	v0 =	vld [tilespmem:s20+$0x0]  }
0xcb: {  	v3 =	vld [tilespmem:s20+$0x400];
	_ =	sdelay $0x4  }
0xcc: {  	v1 =	vsub.s32 v0, v3  }
0xcd: {  	s23 =	simm.s32 $0x10;
	v2 =	vsub.s32 $0x0, v1  }
0xce: {  	v2 =	vmin.u32 v1, v2;
	v1 =	vld [tilespmem:s23+$0x0]  }
0xcf: {  	v4 =	vadd.s32 $0xFFFFFFFF, v2;
	v2 =	vld [tilespmem:s23+$0x400];
	_ =	sdelay $0x2  }
0xd0: {  	s24 =	simm.s32 $0x80;
	v4 =	vmul.u32 v4, v4  }
.LBB2_11:
0xd1: {  	s25 =	sshra.s32 s24, $0x2;
	v5 =	vmul.u32 v0, v3;
	v0 =	vmov v1;
	p1 =	sne.s32 s24, $0x600  }
.Ltmp4:
0xd2: {  	s24 =	sadd.s32 $0x40, s24;
	v1 =	vld [tilespmem:s25+$0x0];
	v6 =	vsub.s32 v0, v2;
	v4 =	vshra.s32 v4, $0x2;
	v3 =	vmov v2;
	(pc) =	sbr.rel @p1 .LBB2_11-.Ltmp4, $4  }
0xd3: {  	v2 =	vld [tilespmem:s25+$0x400];
	v7 =	vsub.s32 $0x0, v6;
	v4 =	vadd.s32 v5, v4  }
0xd4: {  	v5 =	vmin.u32 v6, v7;
	[tilespmem:s20+$0x800] =	vst v4;
	s20 =	smov.u32 s23;
	s23 =	smov.u32 s25  }
0xd5: {  	v4 =	vadd.s32 $0xFFFFFFFF, v5  }
0xd6: {  	v4 =	vmul.u32 v4, v4  }
0xd7: {  	_ = 	snop  }
0xd8: {  	v5 =	vsub.s32 v1, v2  }
0xd9: {  	v6 =	vsub.s32 $0x0, v5  }
0xda: {  	v5 =	vmin.u32 v5, v6  }
0xdb: {  	v5 =	vadd.s32 $0xFFFFFFFF, v5  }
0xdc: {  	v0 =	vmul.u32 v0, v3;
	v60 =	vmul.u32 v5, v5  }
0xdd: {  	v4 =	vshra.s32 v4, $0x2;
	v61 =	vmul.u32 v1, v2  }
0xde: {  	s24 =	sadd.s32 s19, s22;
	v0 =	vadd.s32 v0, v4;
	v62 =	vshra.s32 v60, $0x2  }
0xdf: {  	s25 =	sshrl.u32 s24, $0x3;
	[tilespmem:s20+$0x800] =	vst v0;
	v63 =	vadd.s32 v61, v62  }
0xe0: {  	s18 =	sadd.s32 $0x1, s18;
	s24 =	sadd.s32 s0, s25;
	[tilespmem:s23+$0x800] =	vst v63  }
0xe1: {  	[tilespmem:s6], [sflag:$0x1] =	stream.linear.gather [hbm4b:s24+s6], $0x190, $0x38;
	[tilespmem:$0x1F9C0] =	vst v63  }
0xe2: {  	p1 =	sne.s32 s18, $0xA;
	s20 =	sadd.s32 s1, s25  }
0xe3: {  	[tilespmem:s28], [sflag:$0x1] =	stream.linear.gather [hbm4b:s20+s6], $0x190, $0x38;
	[tilespmem:$0x1F9C0] =	vst v63  }
.Ltmp5:
0xe4: {  	_ = 	snop;
	(pc) =	sbr.rel @p1 .LBB2_8-.Ltmp5, $4  }
0xe5: {  	s25 =	sadd.s32 s19, s13;
	_ =	swait.ge [sflag:s14], $0xC800  }
0xe6: {  	s19 =	sshll.u32 s25, $0x4;
	[sflag:s14] =	ssyncset.done $0x0  }
0xe7: {  	s19 =	sadd.s32 s3, s19;
	[sflag:s14] =	ssyncadd.s32 $0xFFFF3800  }
0xe8: {  	[hbm4b:s19+s6] =	stream.linear.scatter [tilespmem:s12], [sflag:$0x6], $0xC800, $0x38;
	[tilespmem:$0x1F9C0] =	vst v63  }
0xe9: {  	_ =	swait.ge [sflag:s15], $0xC800  }
0xea: {  	[sflag:s15] =	ssyncset.done $0x0  }
0xeb: {  	[sflag:s15] =	ssyncadd.s32 $0xFFFF3800  }
0xec: {  	[tilespmem:s7], [sflag:$0x3] =	stream.indirect.gather [spmem:s5], $0x80, s2, s4, $0xb8;
	[tilespmem:$0x1F9C0] =	vst v63  }
0xed: {  	_ =	swait.ge [sflag:s9], $0x190  }
0xee: {  	[sflag:s9] =	ssyncset.done $0x0  }
0xef: {  	[sflag:s9] =	ssyncadd.s32 $0xFFFFFE70  }
0xf0: {  	_ =	swait.ge [sflag:s9], $0x190  }
0xf1: {  	[sflag:s9] =	ssyncset.done $0x0  }
0xf2: {  	s18 =	simm.s32 $0x0;
	[sflag:s9] =	ssyncadd.s32 $0xFFFFFE70  }
0xf3: {  	v0 =	vld [tilespmem:s18+$0x200]  }
0xf4: {  	v3 =	vld [tilespmem:s18+$0x600];
	_ =	sdelay $0x4  }
0xf5: {  	v1 =	vsub.s32 v0, v3  }
0xf6: {  	s19 =	simm.s32 $0x10;
	v2 =	vsub.s32 $0x0, v1  }
0xf7: {  	v2 =	vmin.u32 v1, v2;
	v1 =	vld [tilespmem:s19+$0x200]  }
0xf8: {  	v4 =	vadd.s32 $0xFFFFFFFF, v2;
	v2 =	vld [tilespmem:s19+$0x600];
	_ =	sdelay $0x2  }
0xf9: {  	s20 =	simm.s32 $0x80;
	v4 =	vmul.u32 v4, v4  }
.LBB2_14:
0xfa: {  	s23 =	sshra.s32 s20, $0x2;
	v5 =	vmul.u32 v0, v3;
	v0 =	vmov v1;
	p1 =	sne.s32 s20, $0x600  }
.Ltmp6:
0xfb: {  	s20 =	sadd.s32 $0x40, s20;
	v1 =	vld [tilespmem:s23+$0x200];
	v6 =	vsub.s32 v0, v2;
	v4 =	vshra.s32 v4, $0x2;
	v3 =	vmov v2;
	(pc) =	sbr.rel @p1 .LBB2_14-.Ltmp6, $4  }
0xfc: {  	v2 =	vld [tilespmem:s23+$0x600];
	v7 =	vsub.s32 $0x0, v6;
	v4 =	vadd.s32 v5, v4  }
0xfd: {  	v5 =	vmin.u32 v6, v7;
	[tilespmem:s18+$0xA00] =	vst v4;
	s18 =	smov.u32 s19;
	s19 =	smov.u32 s23  }
0xfe: {  	v4 =	vadd.s32 $0xFFFFFFFF, v5  }
0xff: {  	v4 =	vmul.u32 v4, v4  }
0x100: {  	_ = 	snop  }
0x101: {  	v5 =	vsub.s32 v1, v2  }
0x102: {  	v6 =	vsub.s32 $0x0, v5  }
0x103: {  	v5 =	vmin.u32 v5, v6  }
0x104: {  	v5 =	vadd.s32 $0xFFFFFFFF, v5  }
0x105: {  	v0 =	vmul.u32 v0, v3;
	v3 =	vmul.u32 v5, v5  }
0x106: {  	v4 =	vshra.s32 v4, $0x2;
	v1 =	vmul.u32 v1, v2  }
0x107: {  	v0 =	vadd.s32 v0, v4;
	v2 =	vshra.s32 v3, $0x2  }
0x108: {  	[tilespmem:s18+$0xA00] =	vst v0;
	v0 =	vadd.s32 v1, v2  }
0x109: {  	[tilespmem:s19+$0xA00] =	vst v0  }
0x10a: {  	_ =	swait.ge [sflag:s10], $0xC800  }
0x10b: {  	[sflag:s10] =	ssyncset.done $0x0  }
0x10c: {  	s24 =	simm.s32 $0x0;
	s25 =	rddreg [dreg:$0x12];
	[sflag:s10] =	ssyncadd.s32 $0xFFFF3800  }
0x10d: {  	[hbm4b:s25+s24] =	stream.linear.scatter [tilespmem:s7], [sflag:$0x5], $0xC800, $0x38;
	[tilespmem:$0x1F9C0] =	vst v63  }
0x10e: {  	_ =	swait.ge [sflag:s16], $0xC800  }
0x10f: {  	[sflag:s16] =	ssyncset.done $0x0  }
0x110: {  	[sflag:s16] =	ssyncadd.s32 $0xFFFF3800  }
0x111: {  	[tilespmem:s12], [sflag:$0x4] =	stream.indirect.gather [spmem:s5], $0x80, s11, s4, $0xb8;
	[tilespmem:$0x1F9C0] =	vst v63  }
0x112: {  	_ =	swait.ge [sflag:s31], $0x190  }
0x113: {  	[sflag:s31] =	ssyncset.done $0x0  }
0x114: {  	[sflag:s31] =	ssyncadd.s32 $0xFFFFFE70  }
0x115: {  	_ =	swait.ge [sflag:s31], $0x190  }
0x116: {  	[sflag:s31] =	ssyncset.done $0x0  }
0x117: {  	s18 =	simm.s32 $0x0;
	[sflag:s31] =	ssyncadd.s32 $0xFFFFFE70  }
0x118: {  	v0 =	vld [tilespmem:s18+$0x0]  }
0x119: {  	v3 =	vld [tilespmem:s18+$0x400];
	_ =	sdelay $0x4  }
0x11a: {  	v1 =	vsub.s32 v0, v3  }
0x11b: {  	s19 =	simm.s32 $0x10;
	v2 =	vsub.s32 $0x0, v1  }
0x11c: {  	v2 =	vmin.u32 v1, v2;
	v1 =	vld [tilespmem:s19+$0x0]  }
0x11d: {  	v4 =	vadd.s32 $0xFFFFFFFF, v2;
	v2 =	vld [tilespmem:s19+$0x400];
	_ =	sdelay $0x2  }
0x11e: {  	s20 =	simm.s32 $0x80;
	v4 =	vmul.u32 v4, v4  }
.LBB2_16:
0x11f: {  	s23 =	sshra.s32 s20, $0x2;
	v5 =	vmul.u32 v0, v3;
	v0 =	vmov v1;
	p1 =	sne.s32 s20, $0x600  }
.Ltmp7:
0x120: {  	s20 =	sadd.s32 $0x40, s20;
	v1 =	vld [tilespmem:s23+$0x0];
	v6 =	vsub.s32 v0, v2;
	v4 =	vshra.s32 v4, $0x2;
	v3 =	vmov v2;
	(pc) =	sbr.rel @p1 .LBB2_16-.Ltmp7, $4  }
0x121: {  	v2 =	vld [tilespmem:s23+$0x400];
	v7 =	vsub.s32 $0x0, v6;
	v4 =	vadd.s32 v5, v4  }
0x122: {  	v5 =	vmin.u32 v6, v7;
	[tilespmem:s18+$0x800] =	vst v4;
	s18 =	smov.u32 s19;
	s19 =	smov.u32 s23  }
0x123: {  	v4 =	vadd.s32 $0xFFFFFFFF, v5  }
0x124: {  	v4 =	vmul.u32 v4, v4  }
0x125: {  	_ = 	snop  }
0x126: {  	v5 =	vsub.s32 v1, v2  }
0x127: {  	v6 =	vsub.s32 $0x0, v5  }
0x128: {  	v5 =	vmin.u32 v5, v6  }
0x129: {  	v5 =	vadd.s32 $0xFFFFFFFF, v5  }
0x12a: {  	v0 =	vmul.u32 v0, v3;
	v60 =	vmul.u32 v5, v5  }
0x12b: {  	v4 =	vshra.s32 v4, $0x2;
	v61 =	vmul.u32 v1, v2  }
0x12c: {  	v0 =	vadd.s32 v0, v4;
	v62 =	vshra.s32 v60, $0x2  }
0x12d: {  	[tilespmem:s18+$0x800] =	vst v0;
	v63 =	vadd.s32 v61, v62  }
0x12e: {  	[tilespmem:s19+$0x800] =	vst v63  }
0x12f: {  	_ =	swait.ge [sflag:s14], $0xC800  }
0x130: {  	[sflag:s14] =	ssyncset.done $0x0  }
0x131: {  	s24 =	rddreg [dreg:$0x13];
	[sflag:s14] =	ssyncadd.s32 $0xFFFF3800  }
0x132: {  	[hbm4b:s24+s6] =	stream.linear.scatter [tilespmem:s12], [sflag:$0x6], $0xC800, $0x38;
	[tilespmem:$0x1F9C0] =	vst v63  }
0x133: {  	_ =	swait.ge [sflag:s15], $0xC800  }
0x134: {  	[sflag:s15] =	ssyncset.done $0x0  }
0x135: {  	[sflag:s15] =	ssyncadd.s32 $0xFFFF3800  }
0x136: {  	[tilespmem:s7], [sflag:$0x3] =	stream.indirect.gather [spmem:s5], $0x80, s2, s4, $0xb8;
	[tilespmem:$0x1F9C0] =	vst v63  }
0x137: {  	_ =	swait.ge [sflag:s10], $0xC800  }
0x138: {  	[sflag:s10] =	ssyncset.done $0x0  }
0x139: {  	s17 =	sadd.s32 $0x1, s17;
	s25 =	rddreg [dreg:$0x14];
	[sflag:s10] =	ssyncadd.s32 $0xFFFF3800  }
0x13a: {  	[hbm4b:s25+s6] =	stream.linear.scatter [tilespmem:s7], [sflag:$0x5], $0xC800, $0x38;
	[tilespmem:$0x1F9C0] =	vst v63  }
0x13b: {  	p1 =	sne.s32 s17, s26;
	_ =	swait.ge [sflag:s16], $0xC800  }
.Ltmp8:
0x13c: {  	[sflag:s16] =	ssyncset.done $0x0;
	(pc) =	sbr.rel @p1 .LBB2_1-.Ltmp8, $4  }
0x13d: {  	[sflag:s16] =	ssyncadd.s32 $0xFFFF3800  }
0x13e: {  	_ =	swait.ge [sflag:s15], $0xC800  }
0x13f: {  	[sflag:s15] =	ssyncset.done $0x0  }
0x140: {  	[sflag:s15] =	ssyncadd.s32 $0xFFFF3800  }
0x141: {  	_ =	sfence.sel $0x180000  }
0x142: {  	[bflag:$0x0] =	sbarrier.arrive $0xFFFF  }
0x143: {  	_ =	strace $0x90000047  }
0x144: {  	[bflag:$0x2] =	sbarrier.arrive $0xFFFF  }
0x145: {  	s0 =	rddreg [dreg:$0x5]  }
0x146: {  	s0 =	sadd.s32 @!p0 $0x100000, s0  }
0x147: {  	[sflag:s0] =	ssyncadd.tile.s32 @!p0 $0x1;
	_ =	shalt  }
.Lfunc_end2:
_tile_overlayer_lowered:
.L_overlay_start_2:
0x148: {  	(tag) =	ssettag $0x2  }
0x149: {  	s0 =	rddreg [dreg:$0x0];
	s2 =	stileid.u32  }
0x14a: {  	s1 =	rddreg [dreg:$0x1];
	p0 =	sne.s32 s2, $0x0  }
0x14b: {  	s3 =	rddreg [dreg:$0x2];
	[bflag:$0x3] =	sbarrier.arrive $0xFFFF;
	s2 =	simm.s32 @!p0 $0x1C07  }
0x14c: {  	[timem:s3], [sflag:s2] =	dma.local @!p0 [hbm:s0], s1  }
0x14d: {  	s0 =	simm.s32 @!p0 $0x7  }
0x14e: {  	_ =	swait.ge @!p0 [sflag:s0], s1  }
0x14f: {  	s1 =	ssub.s32 @!p0 $0x0, s1;
	[sflag:s0] =	ssyncset.done @!p0 $0x0  }
0x150: {  	[sflag:s0] =	ssyncadd.s32 @!p0 s1  }
0x151: {  	[bflag:$0x3] =	sbarrier.arrive $0xFFFF  }
0x152: {  	_ =	shalt  }

</sc_bundles>
